<compile_context>
chip_gen: v7x
topology: tpu7x:2x2x1
jax: 0.10.2.dev20260603
libtpu: 0.0.44.dev20260713+nightly
codegen_flags: <defaults>
</compile_context>

<pallas_src>
import functools

import jax
import jax.numpy as jnp
from jax import lax
from jax.experimental import pallas as pl
from jax.experimental.pallas import tpu as pltpu
from jax.experimental.pallas import tpu_sc as plsc

N = 10000
E = 160000
HD = 256
H3 = 3 * HD
NG = 64
NSC = 2
NSUB = 16
CH = 128
EPAD = 163840
EPW = EPAD // NSUB
NP = 10240
RPW = NP // NSUB
DUMMY = 10016
BN = 1000
GRID = N // BN


NCH = EPW // CH
NBUF = 4


def _sc_agg(x2, gidx, dstp, zrows):
    mesh = plsc.VectorSubcoreMesh(core_axis_name="c", subcore_axis_name="s")

    @functools.partial(
        pl.kernel,
        out_type=jax.ShapeDtypeStruct((NSC, NP, 128), jnp.float32),
        mesh=mesh,
        scratch_types=[
            pltpu.VMEM((CH,), jnp.int32),
            pltpu.VMEM((CH,), jnp.int32),
            pltpu.VMEM((CH,), jnp.int32),
            pltpu.VMEM((CH,), jnp.int32),
            pltpu.VMEM((CH,), jnp.int32),
            pltpu.VMEM((CH,), jnp.int32),
            pltpu.VMEM((CH,), jnp.int32),
            pltpu.VMEM((CH,), jnp.int32),
            pltpu.VMEM((CH, 128), jnp.float32),
            pltpu.VMEM((CH, 128), jnp.float32),
            pltpu.VMEM_SHARED((NP, 128), jnp.float32),
            pltpu.SemaphoreType.DMA,
            pltpu.SemaphoreType.DMA,
            pltpu.SemaphoreType.DMA,
            pltpu.SemaphoreType.DMA,
            pltpu.SemaphoreType.DMA,
            pltpu.SemaphoreType.DMA,
            pltpu.SemaphoreType.DMA,
            pltpu.SemaphoreType.DMA,
        ],
    )
    def k(x2_hbm, gidx_hbm, dst_hbm, z_hbm, out_hbm,
          ig0, ig1, ig2, ig3, is0, is1, is2, is3, rows0, rows1, acc,
          sg0, sg1, ss0, ss1, si0, si1, si2, si3):
        igs = (ig0, ig1, ig2, ig3)
        iss = (is0, is1, is2, is3)
        rws = (rows0, rows1)
        sgs = (sg0, sg1)
        sss = (ss0, ss1)
        sis = (si0, si1, si2, si3)
        cid = lax.axis_index("c")
        sid = lax.axis_index("s")
        ebase = sid * EPW
        gbase = cid * EPAD + ebase

        def idx_load(c, q):
            pltpu.async_copy(gidx_hbm.at[pl.ds(gbase + c * CH, CH)],
                             igs[q], sis[q])
            pltpu.async_copy(dst_hbm.at[pl.ds(ebase + c * CH, CH)],
                             iss[q], sis[q])

        def idx_wait(c, q):
            pltpu.make_async_copy(gidx_hbm.at[pl.ds(gbase + c * CH, CH)],
                                  igs[q], sis[q]).wait()
            pltpu.make_async_copy(dst_hbm.at[pl.ds(ebase + c * CH, CH)],
                                  iss[q], sis[q]).wait()

        def gather(q, b):
            pltpu.async_copy(x2_hbm.at[igs[q]], rws[b], sgs[b])

        def gather_wait(q, b):
            pltpu.make_async_copy(x2_hbm.at[igs[q]], rws[b], sgs[b]).wait()

        def scat(q, b):
            pltpu.async_copy(rws[b], acc.at[iss[q]], sss[b], add=True)

        def scat_wait(q, b):
            pltpu.make_async_copy(rws[b], acc.at[iss[q]], sss[b]).wait()

        def step(c, ph, has_scat_wait=True, has_load=True, has_gather=True):
            b = ph % 2
            nb = 1 - b
            if has_gather:
                idx_wait(c + 1, (ph + 1) % 4)
            if has_scat_wait:
                scat_wait((ph - 1) % 4, nb)
            if has_gather:
                gather((ph + 1) % 4, nb)
            gather_wait(ph, b)
            scat(ph, b)
            if has_load:
                idx_load(c + 3, (ph + 3) % 4)

        idx_load(0, 0)
        idx_load(1, 1)
        idx_load(2, 2)
        pltpu.sync_copy(z_hbm, acc.at[pl.ds(sid * RPW, RPW)])
        plsc.subcore_barrier()
        idx_wait(0, 0)
        gather(0, 0)
        step(0, 0, has_scat_wait=False)
        step(1, 1)
        step(2, 2)

        def body(j, carry):
            c0 = 3 + j * 4
            for u in range(4):
                step(c0 + u, (3 + u) % 4)
            return carry

        lax.fori_loop(0, (NCH - 8) // 4, body, 0)
        step(NCH - 5, (NCH - 5) % 4)
        step(NCH - 4, (NCH - 4) % 4)
        step(NCH - 3, (NCH - 3) % 4, has_load=False)
        step(NCH - 2, (NCH - 2) % 4, has_load=False)
        step(NCH - 1, (NCH - 1) % 4, has_load=False, has_gather=False)
        scat_wait((NCH - 1) % 4, (NCH - 1) % 2)
        plsc.subcore_barrier()
        pltpu.sync_copy(acc.at[pl.ds(sid * RPW, RPW)],
                        out_hbm.at[cid, pl.ds(sid * RPW, RPW)])

    return k(x2, gidx, dstp, zrows)


def _row_spec(w):
    return pl.BlockSpec((BN, w), lambda i: (i, 0))


def _full_spec(h, w):
    return pl.BlockSpec((h, w), lambda i: (0, 0))


def _acc(ref, val, i):
    @pl.when(i == 0)
    def _():
        ref[...] = val

    @pl.when(i > 0)
    def _():
        ref[...] += val


def _pt_blk(b_ref):
    b2d = b_ref[0]
    return (lax.broadcasted_iota(jnp.int32, (NG, BN), 0) == b2d
            ).astype(jnp.float32)


def _stage_a(x, agg, w1f, c1, w2c, b2c, batch3):
    def body(x_ref, a0_ref, a1_ref, w1_ref, c1_ref, w2_ref, b2_ref, b_ref,
             h2_ref, s_ref, s2_ref, cnt_ref):
        i = pl.program_id(0)
        h0 = x_ref[...] + jnp.concatenate([a0_ref[0], a1_ref[0]], axis=1)
        h1 = jnp.maximum(
            jnp.dot(h0, w1_ref[...], preferred_element_type=jnp.float32)
            + c1_ref[...], 0.0)
        parts = []
        for l in range(3):
            sl = slice(l * HD, (l + 1) * HD)
            parts.append(jnp.maximum(
                jnp.dot(h1[:, sl], w2_ref[:, sl],
                        preferred_element_type=jnp.float32)
                + b2_ref[:, sl], 0.0))
        h2 = jnp.concatenate(parts, axis=1)
        h2_ref[...] = h2
        pt = _pt_blk(b_ref)
        _acc(s_ref, jnp.dot(pt, h2, preferred_element_type=jnp.float32), i)
        _acc(s2_ref,
             jnp.dot(pt, h2 * h2, preferred_element_type=jnp.float32), i)
        _acc(cnt_ref,
             jnp.dot(pt, jnp.ones((BN, HD), jnp.float32),
                     preferred_element_type=jnp.float32), i)

    return pl.pallas_call(
        body,
        grid=(GRID,),
        in_specs=[
            _row_spec(HD),
            pl.BlockSpec((1, BN, 128), lambda i: (0, i, 0)),
            pl.BlockSpec((1, BN, 128), lambda i: (1, i, 0)),
            _full_spec(HD, H3),
            _full_spec(1, H3),
            _full_spec(HD, H3),
            _full_spec(1, H3),
            pl.BlockSpec((1, 1, BN), lambda i: (i, 0, 0)),
        ],
        out_specs=[_row_spec(H3), _full_spec(NG, H3), _full_spec(NG, H3),
                   _full_spec(NG, HD)],
        out_shape=[jax.ShapeDtypeStruct((N, H3), jnp.float32),
                   jax.ShapeDtypeStruct((NG, H3), jnp.float32),
                   jax.ShapeDtypeStruct((NG, H3), jnp.float32),
                   jax.ShapeDtypeStruct((NG, HD), jnp.float32)],
    )(x, agg, agg, w1f, c1, w2c, b2c, batch3)


def _stage_b(h2, s, s2, cnt, batch3, gac, ggc, gbc, l1w, l1b, l2w, l2b):
    def body(h2_ref, s_ref, s2_ref, cnt_ref, b_ref, ga_ref, gg_ref, gb_ref,
             w1_ref, b1_ref, w2_ref, b2_ref, emb_ref, pool_ref, z_ref):
        i = pl.program_id(0)
        c = jnp.maximum(cnt_ref[...], 1.0)
        cntc = jnp.concatenate([c, c, c], axis=1)
        a = ga_ref[...]
        mean = s_ref[...] / cntc
        var = s2_ref[...] / cntc - (2.0 * a - a * a) * mean * mean
        istd = lax.rsqrt(var + 1e-5)
        sg = istd * gg_ref[...]
        pt = _pt_blk(b_ref)
        b1 = jnp.dot(pt.T, sg, preferred_element_type=jnp.float32)
        b0 = jnp.dot(pt.T, a * mean * sg,
                     preferred_element_type=jnp.float32)
        emb = jnp.maximum(h2_ref[...] * b1 - b0 + gb_ref[...], 0.0)
        emb_ref[...] = emb[:, 2 * HD:]
        _acc(pool_ref,
             jnp.dot(pt, emb, preferred_element_type=jnp.float32), i)

        @pl.when(i == GRID - 1)
        def _():
            pooled = pool_ref[...] / cntc
            z1 = jnp.maximum(
                jnp.dot(pooled, w1_ref[...],
                        preferred_element_type=jnp.float32) + b1_ref[...],
                0.0)
            z2 = (jnp.dot(z1, w2_ref[...], preferred_element_type=jnp.float32)
                  + b2_ref[...])
            mask = lax.broadcasted_iota(jnp.int32, (NG, 128), 1) < 10
            zm = jnp.where(mask, z2, -1e30)
            m = jnp.max(zm, axis=1, keepdims=True)
            e = jnp.where(mask, jnp.exp(zm - m), 0.0)
            ssum = jnp.sum(e, axis=1, keepdims=True)
            z_ref[...] = zm - m - jnp.log(ssum)

    return pl.pallas_call(
        body,
        grid=(GRID,),
        in_specs=[_row_spec(H3), _full_spec(NG, H3), _full_spec(NG, H3),
                  _full_spec(NG, HD), pl.BlockSpec((1, 1, BN), lambda i: (i, 0, 0)),
                  _full_spec(1, H3), _full_spec(1, H3), _full_spec(1, H3),
                  _full_spec(H3, H3), _full_spec(1, H3), _full_spec(H3, 128),
                  _full_spec(1, 128)],
        out_specs=[_row_spec(HD), _full_spec(NG, H3),
                   pl.BlockSpec((NG, 128), lambda i: (0, 0))],
        out_shape=[jax.ShapeDtypeStruct((N, HD), jnp.float32),
                   jax.ShapeDtypeStruct((NG, H3), jnp.float32),
                   jax.ShapeDtypeStruct((NG, 128), jnp.float32)],
    )(h2, s, s2, cnt, batch3, gac, ggc, gbc, l1w, l1b, l2w, l2b)


def kernel(x, edge_index, batch, params):
    src = edge_index[0]
    dst = edge_index[1]
    pad = EPAD - E
    srcp = jnp.concatenate([src, jnp.zeros((pad,), jnp.int32)])
    dstp = jnp.concatenate([dst, jnp.full((pad,), DUMMY, jnp.int32)])
    gidx = jnp.concatenate([srcp * 2, srcp * 2 + 1])
    zrows = jnp.zeros((RPW, 128), jnp.float32)
    batch3 = batch.reshape(GRID, 1, BN)

    bn_scale = 1.0 / jnp.sqrt(jnp.float32(1.0 + 1e-5))
    layers = params["layers"]
    w1f = jnp.concatenate(
        [lp["W1"] * (lp["bn_g"] * bn_scale)[None, :] for lp in layers], axis=1)
    c1 = jnp.concatenate(
        [lp["b1"] * lp["bn_g"] * bn_scale + lp["bn_b"] for lp in layers]
    )[None, :]
    w2c = jnp.concatenate([lp["W2"] for lp in layers], axis=1)
    b2c = jnp.concatenate([lp["b2"] for lp in layers])[None, :]
    gac = jnp.concatenate([lp["gn_a"] for lp in layers])[None, :]
    ggc = jnp.concatenate([lp["gn_g"] for lp in layers])[None, :]
    gbc = jnp.concatenate([lp["gn_b"] for lp in layers])[None, :]

    l2w = jnp.zeros((H3, 128), jnp.float32).at[:, :10].set(params["l2_W"])
    l2b = jnp.zeros((1, 128), jnp.float32).at[:, :10].set(params["l2_b"])

    agg = _sc_agg(x.reshape(2 * N, 128), gidx, dstp, zrows)
    h2, sm, s2m, cnt = _stage_a(x, agg, w1f, c1, w2c, b2c, batch3)
    emb, _pool, zfull = _stage_b(h2, sm, s2m, cnt, batch3, gac, ggc, gbc,
                                 params["l1_W"], params["l1_b"][None, :],
                                 l2w, l2b)
    return (emb, zfull[:, :10])

# --- scband reference (transcript-rebuilt; emitter-appended) ---
"""Pipeline reference for scband-gcn-20547123544325 (READ-ONLY COPY).

The authoritative reference and input builder live on the scoring server;
editing this copy changes nothing except your own understanding.
"""

import jax, jax.numpy as jnp
import numpy as np

N_NODES = 10000
N_EDGES = 160000
D = 256
H = 256
L = 3
C = 10
G = 64


def _layer_params(key):
    k = jax.random.split(key, 2)
    s1 = 1.0 / np.sqrt(D)
    s2 = 1.0 / np.sqrt(H)
    return {
        "W1": jax.random.uniform(k[0], (D, H), jnp.float32, -s1, s1),
        "b1": jnp.zeros((H,), jnp.float32),
        "bn_g": jnp.ones((H,), jnp.float32),
        "bn_b": jnp.zeros((H,), jnp.float32),
        "W2": jax.random.uniform(k[1], (H, H), jnp.float32, -s2, s2),
        "b2": jnp.zeros((H,), jnp.float32),
        "gn_g": jnp.ones((H,), jnp.float32),
        "gn_b": jnp.zeros((H,), jnp.float32),
        "gn_a": jnp.ones((H,), jnp.float32),
    }


def setup_inputs(seed: int = 0):
    key = jax.random.key(seed)
    ks = jax.random.split(key, 8)
    x = jax.random.normal(ks[0], (N_NODES, D), jnp.float32)
    edge_index = jax.random.randint(ks[1], (2, N_EDGES), 0, N_NODES, dtype=jnp.int32)
    batch = jnp.sort(jax.random.randint(ks[2], (N_NODES,), 0, G, dtype=jnp.int32))
    sl = 1.0 / np.sqrt(H * L)
    params = {
        "layers": [_layer_params(jax.random.fold_in(ks[3], i)) for i in range(L)],
        "l1_W": jax.random.uniform(ks[4], (H * L, H * L), jnp.float32, -sl, sl),
        "l1_b": jnp.zeros((H * L,), jnp.float32),
        "l2_W": jax.random.uniform(ks[5], (H * L, C), jnp.float32, -sl, sl),
        "l2_b": jnp.zeros((C,), jnp.float32),
    }
    return {"x": x, "edge_index": edge_index, "batch": batch, "params": params}


def _gin_conv(x, edge_index, p):
    src = edge_index[0]
    dst = edge_index[1]
    agg = jax.ops.segment_sum(x[src], dst, num_segments=N_NODES)
    h = (1.0 + 0.0) * x + agg
    h = h @ p["W1"] + p["b1"]
    h = (h - 0.0) / jnp.sqrt(1.0 + 1e-5) * p["bn_g"] + p["bn_b"]
    h = jax.nn.relu(h)
    h = h @ p["W2"] + p["b2"]
    return jax.nn.relu(h)


def _graph_norm(h, batch, p):
    ones = jnp.ones((h.shape[0], 1), h.dtype)
    cnt = jnp.maximum(jax.ops.segment_sum(ones, batch, num_segments=G), 1.0)
    mean = jax.ops.segment_sum(h, batch, num_segments=G) / cnt
    out = h - p["gn_a"] * mean[batch]
    var = jax.ops.segment_sum(out * out, batch, num_segments=G) / cnt
    std = jnp.sqrt(var + 1e-5)
    return out / std[batch] * p["gn_g"] + p["gn_b"]


def _forward(x, params, edge_index, batch):
    embs = []
    for i in range(L):
        p = params["layers"][i]
        h = _gin_conv(x, edge_index, p)
        h = _graph_norm(h, batch, p)
        h = jax.nn.relu(h)
        embs.append(h)
    hcat = jnp.concatenate(embs, axis=1)
    ones = jnp.ones((hcat.shape[0], 1), hcat.dtype)
    cnt = jnp.maximum(jax.ops.segment_sum(ones, batch, num_segments=G), 1.0)
    pooled = jax.ops.segment_sum(hcat, batch, num_segments=G) / cnt
    z = jax.nn.relu(pooled @ params["l1_W"] + params["l1_b"])
    z = z @ params["l2_W"] + params["l2_b"]
    z = jax.nn.log_softmax(z, axis=1)
    return (embs[-1], z)


def reference(x, edge_index, batch, params):
    return _forward(x, params, edge_index, batch)

if __name__ == "__main__":
    import jax
    _d = setup_inputs()
    print(jax.jit(kernel)(*tuple(_d.values())))

</pallas_src>

<mosaic_0001>
#map = affine_map<(d0, d1) -> (0, 0)>
#map1 = affine_map<(d0, d1) -> (0)>
#map2 = affine_map<(d0, d1) -> (0, 0, 0)>
module attributes {stable_mosaic.version = 14 : i64} {
  func.func @k(%arg0: i32, %arg1: i32, %arg2: memref<20000x128xf32, #tpu.memory_space<hbm>>, %arg3: memref<327680xi32, #tpu.memory_space<hbm>>, %arg4: memref<163840xi32, #tpu.memory_space<hbm>>, %arg5: memref<640x128xf32, #tpu.memory_space<hbm>>, %arg6: memref<2x10240x128xf32, #tpu.memory_space<hbm>>, %arg7: memref<128xi32, #tpu.memory_space<vmem>>, %arg8: memref<128xi32, #tpu.memory_space<vmem>>, %arg9: memref<128xi32, #tpu.memory_space<vmem>>, %arg10: memref<128xi32, #tpu.memory_space<vmem>>, %arg11: memref<128xi32, #tpu.memory_space<vmem>>, %arg12: memref<128xi32, #tpu.memory_space<vmem>>, %arg13: memref<128xi32, #tpu.memory_space<vmem>>, %arg14: memref<128xi32, #tpu.memory_space<vmem>>, %arg15: memref<128x128xf32, #tpu.memory_space<vmem>>, %arg16: memref<128x128xf32, #tpu.memory_space<vmem>>, %arg17: memref<10240x128xf32, #tpu.memory_space<vmem_shared>>, %arg18: memref<!tpu.dma_semaphore, #tpu.memory_space<semaphore_mem>>, %arg19: memref<!tpu.dma_semaphore, #tpu.memory_space<semaphore_mem>>, %arg20: memref<!tpu.dma_semaphore, #tpu.memory_space<semaphore_mem>>, %arg21: memref<!tpu.dma_semaphore, #tpu.memory_space<semaphore_mem>>, %arg22: memref<!tpu.dma_semaphore, #tpu.memory_space<semaphore_mem>>, %arg23: memref<!tpu.dma_semaphore, #tpu.memory_space<semaphore_mem>>, %arg24: memref<!tpu.dma_semaphore, #tpu.memory_space<semaphore_mem>>, %arg25: memref<!tpu.dma_semaphore, #tpu.memory_space<semaphore_mem>>) attributes {dimension_semantics = [#tpu.dimension_semantics<core_parallel>, #tpu.dimension_semantics<subcore_parallel>], iteration_bounds = array<i64: 2, 16>, scalar_prefetch = 0 : i64, scratch_operands = 19 : i64, tpu.core_type = #tpu.core_type<sc_vector_subcore>, window_params = [{transform_indices = #map}, {transform_indices = #map1}, {transform_indices = #map1}, {transform_indices = #map}, {transform_indices = #map2}]} {
    %mul3A = arith.constant 10240 : i32
    %mul3A_0 = arith.muli %arg1, %mul3A : i32
    %mul3A_1 = arith.constant 163840 : i32
    %mul3A_2 = arith.muli %arg0, %mul3A_1 : i32
    %add3A = arith.addi %mul3A_2, %mul3A_0 : i32
    %add3A_3 = arith.constant 0 : i32
    %add3A_4 = arith.addi %add3A, %add3A_3 : i32
    %dma_start3A = tpu.memref_slice %arg3[%add3A_4] : memref<327680xi32, #tpu.memory_space<hbm>> -> memref<128xi32, #tpu.memory_space<hbm>>
    %dma_start3A_5 = tpu.memref_slice %arg3[%add3A_4] : memref<327680xi32, #tpu.memory_space<hbm>> -> memref<128xi32, #tpu.memory_space<hbm>>
    tpu.enqueue_dma source(%dma_start3A_5 : memref<128xi32, #tpu.memory_space<hbm>>) target(%arg7 : memref<128xi32, #tpu.memory_space<vmem>>) target_semaphore(%arg22 : memref<!tpu.dma_semaphore, #tpu.memory_space<semaphore_mem>>)
    %add3A_6 = arith.constant 0 : i32
    %add3A_7 = arith.addi %mul3A_0, %add3A_6 : i32
    %dma_start3A_8 = tpu.memref_slice %arg4[%add3A_7] : memref<163840xi32, #tpu.memory_space<hbm>> -> memref<128xi32, #tpu.memory_space<hbm>>
    %dma_start3A_9 = tpu.memref_slice %arg4[%add3A_7] : memref<163840xi32, #tpu.memory_space<hbm>> -> memref<128xi32, #tpu.memory_space<hbm>>
    tpu.enqueue_dma source(%dma_start3A_9 : memref<128xi32, #tpu.memory_space<hbm>>) target(%arg11 : memref<128xi32, #tpu.memory_space<vmem>>) target_semaphore(%arg22 : memref<!tpu.dma_semaphore, #tpu.memory_space<semaphore_mem>>)
    %add3A_10 = arith.constant 128 : i32
    %add3A_11 = arith.addi %add3A, %add3A_10 : i32
    %dma_start3A_12 = tpu.memref_slice %arg3[%add3A_11] : memref<327680xi32, #tpu.memory_space<hbm>> -> memref<128xi32, #tpu.memory_space<hbm>>
    %dma_start3A_13 = tpu.memref_slice %arg3[%add3A_11] : memref<327680xi32, #tpu.memory_space<hbm>> -> memref<128xi32, #tpu.memory_space<hbm>>
    tpu.enqueue_dma source(%dma_start3A_13 : memref<128xi32, #tpu.memory_space<hbm>>) target(%arg8 : memref<128xi32, #tpu.memory_space<vmem>>) target_semaphore(%arg23 : memref<!tpu.dma_semaphore, #tpu.memory_space<semaphore_mem>>)
    %add3A_14 = arith.constant 128 : i32
    %add3A_15 = arith.addi %mul3A_0, %add3A_14 : i32
    %dma_start3A_16 = tpu.memref_slice %arg4[%add3A_15] : memref<163840xi32, #tpu.memory_space<hbm>> -> memref<128xi32, #tpu.memory_space<hbm>>
    %dma_start3A_17 = tpu.memref_slice %arg4[%add3A_15] : memref<163840xi32, #tpu.memory_space<hbm>> -> memref<128xi32, #tpu.memory_space<hbm>>
    tpu.enqueue_dma source(%dma_start3A_17 : memref<128xi32, #tpu.memory_space<hbm>>) target(%arg12 : memref<128xi32, #tpu.memory_space<vmem>>) target_semaphore(%arg23 : memref<!tpu.dma_semaphore, #tpu.memory_space<semaphore_mem>>)
    %add3A_18 = arith.constant 256 : i32
    %add3A_19 = arith.addi %add3A, %add3A_18 : i32
    %dma_start3A_20 = tpu.memref_slice %arg3[%add3A_19] : memref<327680xi32, #tpu.memory_space<hbm>> -> memref<128xi32, #tpu.memory_space<hbm>>
    %dma_start3A_21 = tpu.memref_slice %arg3[%add3A_19] : memref<327680xi32, #tpu.memory_space<hbm>> -> memref<128xi32, #tpu.memory_space<hbm>>
    tpu.enqueue_dma source(%dma_start3A_21 : memref<128xi32, #tpu.memory_space<hbm>>) target(%arg9 : memref<128xi32, #tpu.memory_space<vmem>>) target_semaphore(%arg24 : memref<!tpu.dma_semaphore, #tpu.memory_space<semaphore_mem>>)
    %add3A_22 = arith.constant 256 : i32
    %add3A_23 = arith.addi %mul3A_0, %add3A_22 : i32
    %dma_start3A_24 = tpu.memref_slice %arg4[%add3A_23] : memref<163840xi32, #tpu.memory_space<hbm>> -> memref<128xi32, #tpu.memory_space<hbm>>
    %dma_start3A_25 = tpu.memref_slice %arg4[%add3A_23] : memref<163840xi32, #tpu.memory_space<hbm>> -> memref<128xi32, #tpu.memory_space<hbm>>
    tpu.enqueue_dma source(%dma_start3A_25 : memref<128xi32, #tpu.memory_space<hbm>>) target(%arg13 : memref<128xi32, #tpu.memory_space<vmem>>) target_semaphore(%arg24 : memref<!tpu.dma_semaphore, #tpu.memory_space<semaphore_mem>>)
    %mul3A_26 = arith.constant 640 : i32
    %mul3A_27 = arith.muli %arg1, %mul3A_26 : i32
    "tpu.region"() ({
      %run_scoped3A = tpu.sem_alloc : memref<!tpu.dma_semaphore, #tpu.memory_space<semaphore_mem>>
      %dma_start3A_237 = arith.constant 0 : i32
      %dma_start3A_238 = tpu.memref_slice %arg17[%mul3A_27, %dma_start3A_237] : memref<10240x128xf32, #tpu.memory_space<vmem_shared>> -> memref<640x128xf32, #tpu.memory_space<vmem_shared>>
      tpu.enqueue_dma source(%arg5 : memref<640x128xf32, #tpu.memory_space<hbm>>) target(%dma_start3A_238 : memref<640x128xf32, #tpu.memory_space<vmem_shared>>) target_semaphore(%run_scoped3A : memref<!tpu.dma_semaphore, #tpu.memory_space<semaphore_mem>>)
      %dma_wait3A_239 = arith.constant 0 : i32
      %dma_wait3A_240 = tpu.memref_slice %arg17[%mul3A_27, %dma_wait3A_239] : memref<10240x128xf32, #tpu.memory_space<vmem_shared>> -> memref<640x128xf32, #tpu.memory_space<vmem_shared>>
      tpu.wait_dma2 semaphore(%run_scoped3A : memref<!tpu.dma_semaphore, #tpu.memory_space<semaphore_mem>>) src(%arg5 : memref<640x128xf32, #tpu.memory_space<hbm>>) dst(%dma_wait3A_240 : memref<640x128xf32, #tpu.memory_space<vmem_shared>>)
      tpu.yield
    }) : () -> ()
    %barrier3A = arith.constant 0 : index
    tpu.barrier barrier_id(%barrier3A)
    %add3A_28 = arith.constant 0 : i32
    %add3A_29 = arith.addi %add3A, %add3A_28 : i32
    %dma_wait3A = tpu.memref_slice %arg3[%add3A_29] : memref<327680xi32, #tpu.memory_space<hbm>> -> memref<128xi32, #tpu.memory_space<hbm>>
    %dma_wait3A_30 = tpu.memref_slice %arg3[%add3A_29] : memref<327680xi32, #tpu.memory_space<hbm>> -> memref<128xi32, #tpu.memory_space<hbm>>
    tpu.wait_dma2 semaphore(%arg22 : memref<!tpu.dma_semaphore, #tpu.memory_space<semaphore_mem>>) src(%dma_wait3A_30 : memref<128xi32, #tpu.memory_space<hbm>>) dst(%arg7 : memref<128xi32, #tpu.memory_space<vmem>>)
    %add3A_31 = arith.constant 0 : i32
    %add3A_32 = arith.addi %mul3A_0, %add3A_31 : i32
    %dma_wait3A_33 = tpu.memref_slice %arg4[%add3A_32] : memref<163840xi32, #tpu.memory_space<hbm>> -> memref<128xi32, #tpu.memory_space<hbm>>
    %dma_wait3A_34 = tpu.memref_slice %arg4[%add3A_32] : memref<163840xi32, #tpu.memory_space<hbm>> -> memref<128xi32, #tpu.memory_space<hbm>>
    tpu.wait_dma2 semaphore(%arg22 : memref<!tpu.dma_semaphore, #tpu.memory_space<semaphore_mem>>) src(%dma_wait3A_34 : memref<128xi32, #tpu.memory_space<hbm>>) dst(%arg11 : memref<128xi32, #tpu.memory_space<vmem>>)
    %dma_start3A_35 = arith.constant 0 : i32
    %dma_start3A_36 = arith.constant 0 : i32
    %dma_start3A_37 = tpu.memref_slice %arg2[%dma_start3A_35, %dma_start3A_36] : memref<20000x128xf32, #tpu.memory_space<hbm>> -> memref<20000x128xf32, #tpu.memory_space<hbm>>
    tpu.enqueue_indirect_dma source(%dma_start3A_37 : memref<20000x128xf32, #tpu.memory_space<hbm>>) target(%arg15 : memref<128x128xf32, #tpu.memory_space<vmem>>) offsets(%arg7 : memref<128xi32, #tpu.memory_space<vmem>>) semaphore(%arg18 : memref<!tpu.dma_semaphore, #tpu.memory_space<semaphore_mem>>)
    %add3A_38 = arith.constant 128 : i32
    %add3A_39 = arith.addi %add3A, %add3A_38 : i32
    %dma_wait3A_40 = tpu.memref_slice %arg3[%add3A_39] : memref<327680xi32, #tpu.memory_space<hbm>> -> memref<128xi32, #tpu.memory_space<hbm>>
    %dma_wait3A_41 = tpu.memref_slice %arg3[%add3A_39] : memref<327680xi32, #tpu.memory_space<hbm>> -> memref<128xi32, #tpu.memory_space<hbm>>
    tpu.wait_dma2 semaphore(%arg23 : memref<!tpu.dma_semaphore, #tpu.memory_space<semaphore_mem>>) src(%dma_wait3A_41 : memref<128xi32, #tpu.memory_space<hbm>>) dst(%arg8 : memref<128xi32, #tpu.memory_space<vmem>>)
    %add3A_42 = arith.constant 128 : i32
    %add3A_43 = arith.addi %mul3A_0, %add3A_42 : i32
    %dma_wait3A_44 = tpu.memref_slice %arg4[%add3A_43] : memref<163840xi32, #tpu.memory_space<hbm>> -> memref<128xi32, #tpu.memory_space<hbm>>
    %dma_wait3A_45 = tpu.memref_slice %arg4[%add3A_43] : memref<163840xi32, #tpu.memory_space<hbm>> -> memref<128xi32, #tpu.memory_space<hbm>>
    tpu.wait_dma2 semaphore(%arg23 : memref<!tpu.dma_semaphore, #tpu.memory_space<semaphore_mem>>) src(%dma_wait3A_45 : memref<128xi32, #tpu.memory_space<hbm>>) dst(%arg12 : memref<128xi32, #tpu.memory_space<vmem>>)
    %dma_start3A_46 = arith.constant 0 : i32
    %dma_start3A_47 = arith.constant 0 : i32
    %dma_start3A_48 = tpu.memref_slice %arg2[%dma_start3A_46, %dma_start3A_47] : memref<20000x128xf32, #tpu.memory_space<hbm>> -> memref<20000x128xf32, #tpu.memory_space<hbm>>
    tpu.enqueue_indirect_dma source(%dma_start3A_48 : memref<20000x128xf32, #tpu.memory_space<hbm>>) target(%arg16 : memref<128x128xf32, #tpu.memory_space<vmem>>) offsets(%arg8 : memref<128xi32, #tpu.memory_space<vmem>>) semaphore(%arg19 : memref<!tpu.dma_semaphore, #tpu.memory_space<semaphore_mem>>)
    %dma_wait3A_49 = arith.constant 0 : i32
    %dma_wait3A_50 = arith.constant 0 : i32
    %dma_wait3A_51 = tpu.memref_slice %arg2[%dma_wait3A_49, %dma_wait3A_50] : memref<20000x128xf32, #tpu.memory_space<hbm>> -> memref<20000x128xf32, #tpu.memory_space<hbm>>
    tpu.wait_indirect_dma semaphore(%arg18 : memref<!tpu.dma_semaphore, #tpu.memory_space<semaphore_mem>>) src(%dma_wait3A_51 : memref<20000x128xf32, #tpu.memory_space<hbm>>) dst(%arg15 : memref<128x128xf32, #tpu.memory_space<vmem>>)
    %dma_start3A_52 = arith.constant 0 : i32
    %dma_start3A_53 = arith.constant 0 : i32
    %dma_start3A_54 = tpu.memref_slice %arg17[%dma_start3A_52, %dma_start3A_53] : memref<10240x128xf32, #tpu.memory_space<vmem_shared>> -> memref<10240x128xf32, #tpu.memory_space<vmem_shared>>
    tpu.enqueue_indirect_dma source(%arg15 : memref<128x128xf32, #tpu.memory_space<vmem>>) target(%dma_start3A_54 : memref<10240x128xf32, #tpu.memory_space<vmem_shared>>) offsets(%arg11 : memref<128xi32, #tpu.memory_space<vmem>>) semaphore(%arg20 : memref<!tpu.dma_semaphore, #tpu.memory_space<semaphore_mem>>) {add = true}
    %add3A_55 = arith.constant 384 : i32
    %add3A_56 = arith.addi %add3A, %add3A_55 : i32
    %dma_start3A_57 = tpu.memref_slice %arg3[%add3A_56] : memref<327680xi32, #tpu.memory_space<hbm>> -> memref<128xi32, #tpu.memory_space<hbm>>
    %dma_start3A_58 = tpu.memref_slice %arg3[%add3A_56] : memref<327680xi32, #tpu.memory_space<hbm>> -> memref<128xi32, #tpu.memory_space<hbm>>
    tpu.enqueue_dma source(%dma_start3A_58 : memref<128xi32, #tpu.memory_space<hbm>>) target(%arg10 : memref<128xi32, #tpu.memory_space<vmem>>) target_semaphore(%arg25 : memref<!tpu.dma_semaphore, #tpu.memory_space<semaphore_mem>>)
    %add3A_59 = arith.constant 384 : i32
    %add3A_60 = arith.addi %mul3A_0, %add3A_59 : i32
    %dma_start3A_61 = tpu.memref_slice %arg4[%add3A_60] : memref<163840xi32, #tpu.memory_space<hbm>> -> memref<128xi32, #tpu.memory_space<hbm>>
    %dma_start3A_62 = tpu.memref_slice %arg4[%add3A_60] : memref<163840xi32, #tpu.memory_space<hbm>> -> memref<128xi32, #tpu.memory_space<hbm>>
    tpu.enqueue_dma source(%dma_start3A_62 : memref<128xi32, #tpu.memory_space<hbm>>) target(%arg14 : memref<128xi32, #tpu.memory_space<vmem>>) target_semaphore(%arg25 : memref<!tpu.dma_semaphore, #tpu.memory_space<semaphore_mem>>)
    %add3A_63 = arith.constant 256 : i32
    %add3A_64 = arith.addi %add3A, %add3A_63 : i32
    %dma_wait3A_65 = tpu.memref_slice %arg3[%add3A_64] : memref<327680xi32, #tpu.memory_space<hbm>> -> memref<128xi32, #tpu.memory_space<hbm>>
    %dma_wait3A_66 = tpu.memref_slice %arg3[%add3A_64] : memref<327680xi32, #tpu.memory_space<hbm>> -> memref<128xi32, #tpu.memory_space<hbm>>
    tpu.wait_dma2 semaphore(%arg24 : memref<!tpu.dma_semaphore, #tpu.memory_space<semaphore_mem>>) src(%dma_wait3A_66 : memref<128xi32, #tpu.memory_space<hbm>>) dst(%arg9 : memref<128xi32, #tpu.memory_space<vmem>>)
    %add3A_67 = arith.constant 256 : i32
    %add3A_68 = arith.addi %mul3A_0, %add3A_67 : i32
    %dma_wait3A_69 = tpu.memref_slice %arg4[%add3A_68] : memref<163840xi32, #tpu.memory_space<hbm>> -> memref<128xi32, #tpu.memory_space<hbm>>
    %dma_wait3A_70 = tpu.memref_slice %arg4[%add3A_68] : memref<163840xi32, #tpu.memory_space<hbm>> -> memref<128xi32, #tpu.memory_space<hbm>>
    tpu.wait_dma2 semaphore(%arg24 : memref<!tpu.dma_semaphore, #tpu.memory_space<semaphore_mem>>) src(%dma_wait3A_70 : memref<128xi32, #tpu.memory_space<hbm>>) dst(%arg13 : memref<128xi32, #tpu.memory_space<vmem>>)
    %dma_wait3A_71 = arith.constant 0 : i32
    %dma_wait3A_72 = arith.constant 0 : i32
    %dma_wait3A_73 = tpu.memref_slice %arg17[%dma_wait3A_71, %dma_wait3A_72] : memref<10240x128xf32, #tpu.memory_space<vmem_shared>> -> memref<10240x128xf32, #tpu.memory_space<vmem_shared>>
    tpu.wait_indirect_dma semaphore(%arg20 : memref<!tpu.dma_semaphore, #tpu.memory_space<semaphore_mem>>) src(%arg15 : memref<128x128xf32, #tpu.memory_space<vmem>>) dst(%dma_wait3A_73 : memref<10240x128xf32, #tpu.memory_space<vmem_shared>>)
    %dma_start3A_74 = arith.constant 0 : i32
    %dma_start3A_75 = arith.constant 0 : i32
    %dma_start3A_76 = tpu.memref_slice %arg2[%dma_start3A_74, %dma_start3A_75] : memref<20000x128xf32, #tpu.memory_space<hbm>> -> memref<20000x128xf32, #tpu.memory_space<hbm>>
    tpu.enqueue_indirect_dma source(%dma_start3A_76 : memref<20000x128xf32, #tpu.memory_space<hbm>>) target(%arg15 : memref<128x128xf32, #tpu.memory_space<vmem>>) offsets(%arg9 : memref<128xi32, #tpu.memory_space<vmem>>) semaphore(%arg18 : memref<!tpu.dma_semaphore, #tpu.memory_space<semaphore_mem>>)
    %dma_wait3A_77 = arith.constant 0 : i32
    %dma_wait3A_78 = arith.constant 0 : i32
    %dma_wait3A_79 = tpu.memref_slice %arg2[%dma_wait3A_77, %dma_wait3A_78] : memref<20000x128xf32, #tpu.memory_space<hbm>> -> memref<20000x128xf32, #tpu.memory_space<hbm>>
    tpu.wait_indirect_dma semaphore(%arg19 : memref<!tpu.dma_semaphore, #tpu.memory_space<semaphore_mem>>) src(%dma_wait3A_79 : memref<20000x128xf32, #tpu.memory_space<hbm>>) dst(%arg16 : memref<128x128xf32, #tpu.memory_space<vmem>>)
    %dma_start3A_80 = arith.constant 0 : i32
    %dma_start3A_81 = arith.constant 0 : i32
    %dma_start3A_82 = tpu.memref_slice %arg17[%dma_start3A_80, %dma_start3A_81] : memref<10240x128xf32, #tpu.memory_space<vmem_shared>> -> memref<10240x128xf32, #tpu.memory_space<vmem_shared>>
    tpu.enqueue_indirect_dma source(%arg16 : memref<128x128xf32, #tpu.memory_space<vmem>>) target(%dma_start3A_82 : memref<10240x128xf32, #tpu.memory_space<vmem_shared>>) offsets(%arg12 : memref<128xi32, #tpu.memory_space<vmem>>) semaphore(%arg21 : memref<!tpu.dma_semaphore, #tpu.memory_space<semaphore_mem>>) {add = true}
    %add3A_83 = arith.constant 512 : i32
    %add3A_84 = arith.addi %add3A, %add3A_83 : i32
    %dma_start3A_85 = tpu.memref_slice %arg3[%add3A_84] : memref<327680xi32, #tpu.memory_space<hbm>> -> memref<128xi32, #tpu.memory_space<hbm>>
    %dma_start3A_86 = tpu.memref_slice %arg3[%add3A_84] : memref<327680xi32, #tpu.memory_space<hbm>> -> memref<128xi32, #tpu.memory_space<hbm>>
    tpu.enqueue_dma source(%dma_start3A_86 : memref<128xi32, #tpu.memory_space<hbm>>) target(%arg7 : memref<128xi32, #tpu.memory_space<vmem>>) target_semaphore(%arg22 : memref<!tpu.dma_semaphore, #tpu.memory_space<semaphore_mem>>)
    %add3A_87 = arith.constant 512 : i32
    %add3A_88 = arith.addi %mul3A_0, %add3A_87 : i32
    %dma_start3A_89 = tpu.memref_slice %arg4[%add3A_88] : memref<163840xi32, #tpu.memory_space<hbm>> -> memref<128xi32, #tpu.memory_space<hbm>>
    %dma_start3A_90 = tpu.memref_slice %arg4[%add3A_88] : memref<163840xi32, #tpu.memory_space<hbm>> -> memref<128xi32, #tpu.memory_space<hbm>>
    tpu.enqueue_dma source(%dma_start3A_90 : memref<128xi32, #tpu.memory_space<hbm>>) target(%arg11 : memref<128xi32, #tpu.memory_space<vmem>>) target_semaphore(%arg22 : memref<!tpu.dma_semaphore, #tpu.memory_space<semaphore_mem>>)
    %add3A_91 = arith.constant 384 : i32
    %add3A_92 = arith.addi %add3A, %add3A_91 : i32
    %dma_wait3A_93 = tpu.memref_slice %arg3[%add3A_92] : memref<327680xi32, #tpu.memory_space<hbm>> -> memref<128xi32, #tpu.memory_space<hbm>>
    %dma_wait3A_94 = tpu.memref_slice %arg3[%add3A_92] : memref<327680xi32, #tpu.memory_space<hbm>> -> memref<128xi32, #tpu.memory_space<hbm>>
    tpu.wait_dma2 semaphore(%arg25 : memref<!tpu.dma_semaphore, #tpu.memory_space<semaphore_mem>>) src(%dma_wait3A_94 : memref<128xi32, #tpu.memory_space<hbm>>) dst(%arg10 : memref<128xi32, #tpu.memory_space<vmem>>)
    %add3A_95 = arith.constant 384 : i32
    %add3A_96 = arith.addi %mul3A_0, %add3A_95 : i32
    %dma_wait3A_97 = tpu.memref_slice %arg4[%add3A_96] : memref<163840xi32, #tpu.memory_space<hbm>> -> memref<128xi32, #tpu.memory_space<hbm>>
    %dma_wait3A_98 = tpu.memref_slice %arg4[%add3A_96] : memref<163840xi32, #tpu.memory_space<hbm>> -> memref<128xi32, #tpu.memory_space<hbm>>
    tpu.wait_dma2 semaphore(%arg25 : memref<!tpu.dma_semaphore, #tpu.memory_space<semaphore_mem>>) src(%dma_wait3A_98 : memref<128xi32, #tpu.memory_space<hbm>>) dst(%arg14 : memref<128xi32, #tpu.memory_space<vmem>>)
    %dma_wait3A_99 = arith.constant 0 : i32
    %dma_wait3A_100 = arith.constant 0 : i32
    %dma_wait3A_101 = tpu.memref_slice %arg17[%dma_wait3A_99, %dma_wait3A_100] : memref<10240x128xf32, #tpu.memory_space<vmem_shared>> -> memref<10240x128xf32, #tpu.memory_space<vmem_shared>>
    tpu.wait_indirect_dma semaphore(%arg21 : memref<!tpu.dma_semaphore, #tpu.memory_space<semaphore_mem>>) src(%arg16 : memref<128x128xf32, #tpu.memory_space<vmem>>) dst(%dma_wait3A_101 : memref<10240x128xf32, #tpu.memory_space<vmem_shared>>)
    %dma_start3A_102 = arith.constant 0 : i32
    %dma_start3A_103 = arith.constant 0 : i32
    %dma_start3A_104 = tpu.memref_slice %arg2[%dma_start3A_102, %dma_start3A_103] : memref<20000x128xf32, #tpu.memory_space<hbm>> -> memref<20000x128xf32, #tpu.memory_space<hbm>>
    tpu.enqueue_indirect_dma source(%dma_start3A_104 : memref<20000x128xf32, #tpu.memory_space<hbm>>) target(%arg16 : memref<128x128xf32, #tpu.memory_space<vmem>>) offsets(%arg10 : memref<128xi32, #tpu.memory_space<vmem>>) semaphore(%arg19 : memref<!tpu.dma_semaphore, #tpu.memory_space<semaphore_mem>>)
    %dma_wait3A_105 = arith.constant 0 : i32
    %dma_wait3A_106 = arith.constant 0 : i32
    %dma_wait3A_107 = tpu.memref_slice %arg2[%dma_wait3A_105, %dma_wait3A_106] : memref<20000x128xf32, #tpu.memory_space<hbm>> -> memref<20000x128xf32, #tpu.memory_space<hbm>>
    tpu.wait_indirect_dma semaphore(%arg18 : memref<!tpu.dma_semaphore, #tpu.memory_space<semaphore_mem>>) src(%dma_wait3A_107 : memref<20000x128xf32, #tpu.memory_space<hbm>>) dst(%arg15 : memref<128x128xf32, #tpu.memory_space<vmem>>)
    %dma_start3A_108 = arith.constant 0 : i32
    %dma_start3A_109 = arith.constant 0 : i32
    %dma_start3A_110 = tpu.memref_slice %arg17[%dma_start3A_108, %dma_start3A_109] : memref<10240x128xf32, #tpu.memory_space<vmem_shared>> -> memref<10240x128xf32, #tpu.memory_space<vmem_shared>>
    tpu.enqueue_indirect_dma source(%arg15 : memref<128x128xf32, #tpu.memory_space<vmem>>) target(%dma_start3A_110 : memref<10240x128xf32, #tpu.memory_space<vmem_shared>>) offsets(%arg13 : memref<128xi32, #tpu.memory_space<vmem>>) semaphore(%arg20 : memref<!tpu.dma_semaphore, #tpu.memory_space<semaphore_mem>>) {add = true}
    %add3A_111 = arith.constant 640 : i32
    %add3A_112 = arith.addi %add3A, %add3A_111 : i32
    %dma_start3A_113 = tpu.memref_slice %arg3[%add3A_112] : memref<327680xi32, #tpu.memory_space<hbm>> -> memref<128xi32, #tpu.memory_space<hbm>>
    %dma_start3A_114 = tpu.memref_slice %arg3[%add3A_112] : memref<327680xi32, #tpu.memory_space<hbm>> -> memref<128xi32, #tpu.memory_space<hbm>>
    tpu.enqueue_dma source(%dma_start3A_114 : memref<128xi32, #tpu.memory_space<hbm>>) target(%arg8 : memref<128xi32, #tpu.memory_space<vmem>>) target_semaphore(%arg23 : memref<!tpu.dma_semaphore, #tpu.memory_space<semaphore_mem>>)
    %add3A_115 = arith.constant 640 : i32
    %add3A_116 = arith.addi %mul3A_0, %add3A_115 : i32
    %dma_start3A_117 = tpu.memref_slice %arg4[%add3A_116] : memref<163840xi32, #tpu.memory_space<hbm>> -> memref<128xi32, #tpu.memory_space<hbm>>
    %dma_start3A_118 = tpu.memref_slice %arg4[%add3A_116] : memref<163840xi32, #tpu.memory_space<hbm>> -> memref<128xi32, #tpu.memory_space<hbm>>
    tpu.enqueue_dma source(%dma_start3A_118 : memref<128xi32, #tpu.memory_space<hbm>>) target(%arg12 : memref<128xi32, #tpu.memory_space<vmem>>) target_semaphore(%arg23 : memref<!tpu.dma_semaphore, #tpu.memory_space<semaphore_mem>>)
    %scan3A = arith.constant 0 : i32
    %scan3A_119 = arith.constant 0 : i32
    %scan3A_120 = arith.constant 18 : i32
    %scan3A_121 = arith.addi %scan3A_119, %scan3A_120 : i32
    %scan3A_122 = arith.constant 1 : i32
    scf.for %scan3A_237 = %scan3A_119 to %scan3A_121 step %scan3A_122  : i32 {
      %mul3A_238 = arith.constant 4 : i32
      %mul3A_239 = arith.muli %scan3A_237, %mul3A_238 : i32
      %add3A_240 = arith.constant 3 : i32
      %add3A_241 = arith.addi %add3A_240, %mul3A_239 : i32
      %add3A_242 = arith.constant 0 : i32
      %add3A_243 = arith.addi %add3A_241, %add3A_242 : i32
      %add3A_244 = arith.constant 1 : i32
      %add3A_245 = arith.addi %add3A_243, %add3A_244 : i32
      %mul3A_246 = arith.constant 128 : i32
      %mul3A_247 = arith.muli %add3A_245, %mul3A_246 : i32
      %add3A_248 = arith.addi %add3A, %mul3A_247 : i32
      %dma_wait3A_249 = tpu.memref_slice %arg3[%add3A_248] : memref<327680xi32, #tpu.memory_space<hbm>> -> memref<128xi32, #tpu.memory_space<hbm>>
      %dma_wait3A_250 = tpu.memref_slice %arg3[%add3A_248] : memref<327680xi32, #tpu.memory_space<hbm>> -> memref<128xi32, #tpu.memory_space<hbm>>
      tpu.wait_dma2 semaphore(%arg22 : memref<!tpu.dma_semaphore, #tpu.memory_space<semaphore_mem>>) src(%dma_wait3A_250 : memref<128xi32, #tpu.memory_space<hbm>>) dst(%arg7 : memref<128xi32, #tpu.memory_space<vmem>>)
      %mul3A_251 = arith.constant 128 : i32
      %mul3A_252 = arith.muli %add3A_245, %mul3A_251 : i32
      %add3A_253 = arith.addi %mul3A_0, %mul3A_252 : i32
      %dma_wait3A_254 = tpu.memref_slice %arg4[%add3A_253] : memref<163840xi32, #tpu.memory_space<hbm>> -> memref<128xi32, #tpu.memory_space<hbm>>
      %dma_wait3A_255 = tpu.memref_slice %arg4[%add3A_253] : memref<163840xi32, #tpu.memory_space<hbm>> -> memref<128xi32, #tpu.memory_space<hbm>>
      tpu.wait_dma2 semaphore(%arg22 : memref<!tpu.dma_semaphore, #tpu.memory_space<semaphore_mem>>) src(%dma_wait3A_255 : memref<128xi32, #tpu.memory_space<hbm>>) dst(%arg11 : memref<128xi32, #tpu.memory_space<vmem>>)
      %dma_wait3A_256 = arith.constant 0 : i32
      %dma_wait3A_257 = arith.constant 0 : i32
      %dma_wait3A_258 = tpu.memref_slice %arg17[%dma_wait3A_256, %dma_wait3A_257] : memref<10240x128xf32, #tpu.memory_space<vmem_shared>> -> memref<10240x128xf32, #tpu.memory_space<vmem_shared>>
      tpu.wait_indirect_dma semaphore(%arg20 : memref<!tpu.dma_semaphore, #tpu.memory_space<semaphore_mem>>) src(%arg15 : memref<128x128xf32, #tpu.memory_space<vmem>>) dst(%dma_wait3A_258 : memref<10240x128xf32, #tpu.memory_space<vmem_shared>>)
      %dma_start3A_259 = arith.constant 0 : i32
      %dma_start3A_260 = arith.constant 0 : i32
      %dma_start3A_261 = tpu.memref_slice %arg2[%dma_start3A_259, %dma_start3A_260] : memref<20000x128xf32, #tpu.memory_space<hbm>> -> memref<20000x128xf32, #tpu.memory_space<hbm>>
      tpu.enqueue_indirect_dma source(%dma_start3A_261 : memref<20000x128xf32, #tpu.memory_space<hbm>>) target(%arg15 : memref<128x128xf32, #tpu.memory_space<vmem>>) offsets(%arg7 : memref<128xi32, #tpu.memory_space<vmem>>) semaphore(%arg18 : memref<!tpu.dma_semaphore, #tpu.memory_space<semaphore_mem>>)
      %dma_wait3A_262 = arith.constant 0 : i32
      %dma_wait3A_263 = arith.constant 0 : i32
      %dma_wait3A_264 = tpu.memref_slice %arg2[%dma_wait3A_262, %dma_wait3A_263] : memref<20000x128xf32, #tpu.memory_space<hbm>> -> memref<20000x128xf32, #tpu.memory_space<hbm>>
      tpu.wait_indirect_dma semaphore(%arg19 : memref<!tpu.dma_semaphore, #tpu.memory_space<semaphore_mem>>) src(%dma_wait3A_264 : memref<20000x128xf32, #tpu.memory_space<hbm>>) dst(%arg16 : memref<128x128xf32, #tpu.memory_space<vmem>>)
      %dma_start3A_265 = arith.constant 0 : i32
      %dma_start3A_266 = arith.constant 0 : i32
      %dma_start3A_267 = tpu.memref_slice %arg17[%dma_start3A_265, %dma_start3A_266] : memref<10240x128xf32, #tpu.memory_space<vmem_shared>> -> memref<10240x128xf32, #tpu.memory_space<vmem_shared>>
      tpu.enqueue_indirect_dma source(%arg16 : memref<128x128xf32, #tpu.memory_space<vmem>>) target(%dma_start3A_267 : memref<10240x128xf32, #tpu.memory_space<vmem_shared>>) offsets(%arg14 : memref<128xi32, #tpu.memory_space<vmem>>) semaphore(%arg21 : memref<!tpu.dma_semaphore, #tpu.memory_space<semaphore_mem>>) {add = true}
      %add3A_268 = arith.constant 3 : i32
      %add3A_269 = arith.addi %add3A_243, %add3A_268 : i32
      %mul3A_270 = arith.constant 128 : i32
      %mul3A_271 = arith.muli %add3A_269, %mul3A_270 : i32
      %add3A_272 = arith.addi %add3A, %mul3A_271 : i32
      %dma_start3A_273 = tpu.memref_slice %arg3[%add3A_272] : memref<327680xi32, #tpu.memory_space<hbm>> -> memref<128xi32, #tpu.memory_space<hbm>>
      %dma_start3A_274 = tpu.memref_slice %arg3[%add3A_272] : memref<327680xi32, #tpu.memory_space<hbm>> -> memref<128xi32, #tpu.memory_space<hbm>>
      tpu.enqueue_dma source(%dma_start3A_274 : memref<128xi32, #tpu.memory_space<hbm>>) target(%arg9 : memref<128xi32, #tpu.memory_space<vmem>>) target_semaphore(%arg24 : memref<!tpu.dma_semaphore, #tpu.memory_space<semaphore_mem>>)
      %mul3A_275 = arith.constant 128 : i32
      %mul3A_276 = arith.muli %add3A_269, %mul3A_275 : i32
      %add3A_277 = arith.addi %mul3A_0, %mul3A_276 : i32
      %dma_start3A_278 = tpu.memref_slice %arg4[%add3A_277] : memref<163840xi32, #tpu.memory_space<hbm>> -> memref<128xi32, #tpu.memory_space<hbm>>
      %dma_start3A_279 = tpu.memref_slice %arg4[%add3A_277] : memref<163840xi32, #tpu.memory_space<hbm>> -> memref<128xi32, #tpu.memory_space<hbm>>
      tpu.enqueue_dma source(%dma_start3A_279 : memref<128xi32, #tpu.memory_space<hbm>>) target(%arg13 : memref<128xi32, #tpu.memory_space<vmem>>) target_semaphore(%arg24 : memref<!tpu.dma_semaphore, #tpu.memory_space<semaphore_mem>>)
      %add3A_280 = arith.constant 1 : i32
      %add3A_281 = arith.addi %add3A_241, %add3A_280 : i32
      %add3A_282 = arith.constant 1 : i32
      %add3A_283 = arith.addi %add3A_281, %add3A_282 : i32
      %mul3A_284 = arith.constant 128 : i32
      %mul3A_285 = arith.muli %add3A_283, %mul3A_284 : i32
      %add3A_286 = arith.addi %add3A, %mul3A_285 : i32
      %dma_wait3A_287 = tpu.memref_slice %arg3[%add3A_286] : memref<327680xi32, #tpu.memory_space<hbm>> -> memref<128xi32, #tpu.memory_space<hbm>>
      %dma_wait3A_288 = tpu.memref_slice %arg3[%add3A_286] : memref<327680xi32, #tpu.memory_space<hbm>> -> memref<128xi32, #tpu.memory_space<hbm>>
      tpu.wait_dma2 semaphore(%arg23 : memref<!tpu.dma_semaphore, #tpu.memory_space<semaphore_mem>>) src(%dma_wait3A_288 : memref<128xi32, #tpu.memory_space<hbm>>) dst(%arg8 : memref<128xi32, #tpu.memory_space<vmem>>)
      %mul3A_289 = arith.constant 128 : i32
      %mul3A_290 = arith.muli %add3A_283, %mul3A_289 : i32
      %add3A_291 = arith.addi %mul3A_0, %mul3A_290 : i32
      %dma_wait3A_292 = tpu.memref_slice %arg4[%add3A_291] : memref<163840xi32, #tpu.memory_space<hbm>> -> memref<128xi32, #tpu.memory_space<hbm>>
      %dma_wait3A_293 = tpu.memref_slice %arg4[%add3A_291] : memref<163840xi32, #tpu.memory_space<hbm>> -> memref<128xi32, #tpu.memory_space<hbm>>
      tpu.wait_dma2 semaphore(%arg23 : memref<!tpu.dma_semaphore, #tpu.memory_space<semaphore_mem>>) src(%dma_wait3A_293 : memref<128xi32, #tpu.memory_space<hbm>>) dst(%arg12 : memref<128xi32, #tpu.memory_space<vmem>>)
      %dma_wait3A_294 = arith.constant 0 : i32
      %dma_wait3A_295 = arith.constant 0 : i32
      %dma_wait3A_296 = tpu.memref_slice %arg17[%dma_wait3A_294, %dma_wait3A_295] : memref<10240x128xf32, #tpu.memory_space<vmem_shared>> -> memref<10240x128xf32, #tpu.memory_space<vmem_shared>>
      tpu.wait_indirect_dma semaphore(%arg21 : memref<!tpu.dma_semaphore, #tpu.memory_space<semaphore_mem>>) src(%arg16 : memref<128x128xf32, #tpu.memory_space<vmem>>) dst(%dma_wait3A_296 : memref<10240x128xf32, #tpu.memory_space<vmem_shared>>)
      %dma_start3A_297 = arith.constant 0 : i32
      %dma_start3A_298 = arith.constant 0 : i32
      %dma_start3A_299 = tpu.memref_slice %arg2[%dma_start3A_297, %dma_start3A_298] : memref<20000x128xf32, #tpu.memory_space<hbm>> -> memref<20000x128xf32, #tpu.memory_space<hbm>>
      tpu.enqueue_indirect_dma source(%dma_start3A_299 : memref<20000x128xf32, #tpu.memory_space<hbm>>) target(%arg16 : memref<128x128xf32, #tpu.memory_space<vmem>>) offsets(%arg8 : memref<128xi32, #tpu.memory_space<vmem>>) semaphore(%arg19 : memref<!tpu.dma_semaphore, #tpu.memory_space<semaphore_mem>>)
      %dma_wait3A_300 = arith.constant 0 : i32
      %dma_wait3A_301 = arith.constant 0 : i32
      %dma_wait3A_302 = tpu.memref_slice %arg2[%dma_wait3A_300, %dma_wait3A_301] : memref<20000x128xf32, #tpu.memory_space<hbm>> -> memref<20000x128xf32, #tpu.memory_space<hbm>>
      tpu.wait_indirect_dma semaphore(%arg18 : memref<!tpu.dma_semaphore, #tpu.memory_space<semaphore_mem>>) src(%dma_wait3A_302 : memref<20000x128xf32, #tpu.memory_space<hbm>>) dst(%arg15 : memref<128x128xf32, #tpu.memory_space<vmem>>)
      %dma_start3A_303 = arith.constant 0 : i32
      %dma_start3A_304 = arith.constant 0 : i32
      %dma_start3A_305 = tpu.memref_slice %arg17[%dma_start3A_303, %dma_start3A_304] : memref<10240x128xf32, #tpu.memory_space<vmem_shared>> -> memref<10240x128xf32, #tpu.memory_space<vmem_shared>>
      tpu.enqueue_indirect_dma source(%arg15 : memref<128x128xf32, #tpu.memory_space<vmem>>) target(%dma_start3A_305 : memref<10240x128xf32, #tpu.memory_space<vmem_shared>>) offsets(%arg11 : memref<128xi32, #tpu.memory_space<vmem>>) semaphore(%arg20 : memref<!tpu.dma_semaphore, #tpu.memory_space<semaphore_mem>>) {add = true}
      %add3A_306 = arith.constant 3 : i32
      %add3A_307 = arith.addi %add3A_281, %add3A_306 : i32
      %mul3A_308 = arith.constant 128 : i32
      %mul3A_309 = arith.muli %add3A_307, %mul3A_308 : i32
      %add3A_310 = arith.addi %add3A, %mul3A_309 : i32
      %dma_start3A_311 = tpu.memref_slice %arg3[%add3A_310] : memref<327680xi32, #tpu.memory_space<hbm>> -> memref<128xi32, #tpu.memory_space<hbm>>
      %dma_start3A_312 = tpu.memref_slice %arg3[%add3A_310] : memref<327680xi32, #tpu.memory_space<hbm>> -> memref<128xi32, #tpu.memory_space<hbm>>
      tpu.enqueue_dma source(%dma_start3A_312 : memref<128xi32, #tpu.memory_space<hbm>>) target(%arg10 : memref<128xi32, #tpu.memory_space<vmem>>) target_semaphore(%arg25 : memref<!tpu.dma_semaphore, #tpu.memory_space<semaphore_mem>>)
      %mul3A_313 = arith.constant 128 : i32
      %mul3A_314 = arith.muli %add3A_307, %mul3A_313 : i32
      %add3A_315 = arith.addi %mul3A_0, %mul3A_314 : i32
      %dma_start3A_316 = tpu.memref_slice %arg4[%add3A_315] : memref<163840xi32, #tpu.memory_space<hbm>> -> memref<128xi32, #tpu.memory_space<hbm>>
      %dma_start3A_317 = tpu.memref_slice %arg4[%add3A_315] : memref<163840xi32, #tpu.memory_space<hbm>> -> memref<128xi32, #tpu.memory_space<hbm>>
      tpu.enqueue_dma source(%dma_start3A_317 : memref<128xi32, #tpu.memory_space<hbm>>) target(%arg14 : memref<128xi32, #tpu.memory_space<vmem>>) target_semaphore(%arg25 : memref<!tpu.dma_semaphore, #tpu.memory_space<semaphore_mem>>)
      %add3A_318 = arith.constant 2 : i32
      %add3A_319 = arith.addi %add3A_241, %add3A_318 : i32
      %add3A_320 = arith.constant 1 : i32
      %add3A_321 = arith.addi %add3A_319, %add3A_320 : i32
      %mul3A_322 = arith.constant 128 : i32
      %mul3A_323 = arith.muli %add3A_321, %mul3A_322 : i32
      %add3A_324 = arith.addi %add3A, %mul3A_323 : i32
      %dma_wait3A_325 = tpu.memref_slice %arg3[%add3A_324] : memref<327680xi32, #tpu.memory_space<hbm>> -> memref<128xi32, #tpu.memory_space<hbm>>
      %dma_wait3A_326 = tpu.memref_slice %arg3[%add3A_324] : memref<327680xi32, #tpu.memory_space<hbm>> -> memref<128xi32, #tpu.memory_space<hbm>>
      tpu.wait_dma2 semaphore(%arg24 : memref<!tpu.dma_semaphore, #tpu.memory_space<semaphore_mem>>) src(%dma_wait3A_326 : memref<128xi32, #tpu.memory_space<hbm>>) dst(%arg9 : memref<128xi32, #tpu.memory_space<vmem>>)
      %mul3A_327 = arith.constant 128 : i32
      %mul3A_328 = arith.muli %add3A_321, %mul3A_327 : i32
      %add3A_329 = arith.addi %mul3A_0, %mul3A_328 : i32
      %dma_wait3A_330 = tpu.memref_slice %arg4[%add3A_329] : memref<163840xi32, #tpu.memory_space<hbm>> -> memref<128xi32, #tpu.memory_space<hbm>>
      %dma_wait3A_331 = tpu.memref_slice %arg4[%add3A_329] : memref<163840xi32, #tpu.memory_space<hbm>> -> memref<128xi32, #tpu.memory_space<hbm>>
      tpu.wait_dma2 semaphore(%arg24 : memref<!tpu.dma_semaphore, #tpu.memory_space<semaphore_mem>>) src(%dma_wait3A_331 : memref<128xi32, #tpu.memory_space<hbm>>) dst(%arg13 : memref<128xi32, #tpu.memory_space<vmem>>)
      %dma_wait3A_332 = arith.constant 0 : i32
      %dma_wait3A_333 = arith.constant 0 : i32
      %dma_wait3A_334 = tpu.memref_slice %arg17[%dma_wait3A_332, %dma_wait3A_333] : memref<10240x128xf32, #tpu.memory_space<vmem_shared>> -> memref<10240x128xf32, #tpu.memory_space<vmem_shared>>
      tpu.wait_indirect_dma semaphore(%arg20 : memref<!tpu.dma_semaphore, #tpu.memory_space<semaphore_mem>>) src(%arg15 : memref<128x128xf32, #tpu.memory_space<vmem>>) dst(%dma_wait3A_334 : memref<10240x128xf32, #tpu.memory_space<vmem_shared>>)
      %dma_start3A_335 = arith.constant 0 : i32
      %dma_start3A_336 = arith.constant 0 : i32
      %dma_start3A_337 = tpu.memref_slice %arg2[%dma_start3A_335, %dma_start3A_336] : memref<20000x128xf32, #tpu.memory_space<hbm>> -> memref<20000x128xf32, #tpu.memory_space<hbm>>
      tpu.enqueue_indirect_dma source(%dma_start3A_337 : memref<20000x128xf32, #tpu.memory_space<hbm>>) target(%arg15 : memref<128x128xf32, #tpu.memory_space<vmem>>) offsets(%arg9 : memref<128xi32, #tpu.memory_space<vmem>>) semaphore(%arg18 : memref<!tpu.dma_semaphore, #tpu.memory_space<semaphore_mem>>)
      %dma_wait3A_338 = arith.constant 0 : i32
      %dma_wait3A_339 = arith.constant 0 : i32
      %dma_wait3A_340 = tpu.memref_slice %arg2[%dma_wait3A_338, %dma_wait3A_339] : memref<20000x128xf32, #tpu.memory_space<hbm>> -> memref<20000x128xf32, #tpu.memory_space<hbm>>
      tpu.wait_indirect_dma semaphore(%arg19 : memref<!tpu.dma_semaphore, #tpu.memory_space<semaphore_mem>>) src(%dma_wait3A_340 : memref<20000x128xf32, #tpu.memory_space<hbm>>) dst(%arg16 : memref<128x128xf32, #tpu.memory_space<vmem>>)
      %dma_start3A_341 = arith.constant 0 : i32
      %dma_start3A_342 = arith.constant 0 : i32
      %dma_start3A_343 = tpu.memref_slice %arg17[%dma_start3A_341, %dma_start3A_342] : memref<10240x128xf32, #tpu.memory_space<vmem_shared>> -> memref<10240x128xf32, #tpu.memory_space<vmem_shared>>
      tpu.enqueue_indirect_dma source(%arg16 : memref<128x128xf32, #tpu.memory_space<vmem>>) target(%dma_start3A_343 : memref<10240x128xf32, #tpu.memory_space<vmem_shared>>) offsets(%arg12 : memref<128xi32, #tpu.memory_space<vmem>>) semaphore(%arg21 : memref<!tpu.dma_semaphore, #tpu.memory_space<semaphore_mem>>) {add = true}
      %add3A_344 = arith.constant 3 : i32
      %add3A_345 = arith.addi %add3A_319, %add3A_344 : i32
      %mul3A_346 = arith.constant 128 : i32
      %mul3A_347 = arith.muli %add3A_345, %mul3A_346 : i32
      %add3A_348 = arith.addi %add3A, %mul3A_347 : i32
      %dma_start3A_349 = tpu.memref_slice %arg3[%add3A_348] : memref<327680xi32, #tpu.memory_space<hbm>> -> memref<128xi32, #tpu.memory_space<hbm>>
      %dma_start3A_350 = tpu.memref_slice %arg3[%add3A_348] : memref<327680xi32, #tpu.memory_space<hbm>> -> memref<128xi32, #tpu.memory_space<hbm>>
      tpu.enqueue_dma source(%dma_start3A_350 : memref<128xi32, #tpu.memory_space<hbm>>) target(%arg7 : memref<128xi32, #tpu.memory_space<vmem>>) target_semaphore(%arg22 : memref<!tpu.dma_semaphore, #tpu.memory_space<semaphore_mem>>)
      %mul3A_351 = arith.constant 128 : i32
      %mul3A_352 = arith.muli %add3A_345, %mul3A_351 : i32
      %add3A_353 = arith.addi %mul3A_0, %mul3A_352 : i32
      %dma_start3A_354 = tpu.memref_slice %arg4[%add3A_353] : memref<163840xi32, #tpu.memory_space<hbm>> -> memref<128xi32, #tpu.memory_space<hbm>>
      %dma_start3A_355 = tpu.memref_slice %arg4[%add3A_353] : memref<163840xi32, #tpu.memory_space<hbm>> -> memref<128xi32, #tpu.memory_space<hbm>>
      tpu.enqueue_dma source(%dma_start3A_355 : memref<128xi32, #tpu.memory_space<hbm>>) target(%arg11 : memref<128xi32, #tpu.memory_space<vmem>>) target_semaphore(%arg22 : memref<!tpu.dma_semaphore, #tpu.memory_space<semaphore_mem>>)
      %add3A_356 = arith.constant 3 : i32
      %add3A_357 = arith.addi %add3A_241, %add3A_356 : i32
      %add3A_358 = arith.constant 1 : i32
      %add3A_359 = arith.addi %add3A_357, %add3A_358 : i32
      %mul3A_360 = arith.constant 128 : i32
      %mul3A_361 = arith.muli %add3A_359, %mul3A_360 : i32
      %add3A_362 = arith.addi %add3A, %mul3A_361 : i32
      %dma_wait3A_363 = tpu.memref_slice %arg3[%add3A_362] : memref<327680xi32, #tpu.memory_space<hbm>> -> memref<128xi32, #tpu.memory_space<hbm>>
      %dma_wait3A_364 = tpu.memref_slice %arg3[%add3A_362] : memref<327680xi32, #tpu.memory_space<hbm>> -> memref<128xi32, #tpu.memory_space<hbm>>
      tpu.wait_dma2 semaphore(%arg25 : memref<!tpu.dma_semaphore, #tpu.memory_space<semaphore_mem>>) src(%dma_wait3A_364 : memref<128xi32, #tpu.memory_space<hbm>>) dst(%arg10 : memref<128xi32, #tpu.memory_space<vmem>>)
      %mul3A_365 = arith.constant 128 : i32
      %mul3A_366 = arith.muli %add3A_359, %mul3A_365 : i32
      %add3A_367 = arith.addi %mul3A_0, %mul3A_366 : i32
      %dma_wait3A_368 = tpu.memref_slice %arg4[%add3A_367] : memref<163840xi32, #tpu.memory_space<hbm>> -> memref<128xi32, #tpu.memory_space<hbm>>
      %dma_wait3A_369 = tpu.memref_slice %arg4[%add3A_367] : memref<163840xi32, #tpu.memory_space<hbm>> -> memref<128xi32, #tpu.memory_space<hbm>>
      tpu.wait_dma2 semaphore(%arg25 : memref<!tpu.dma_semaphore, #tpu.memory_space<semaphore_mem>>) src(%dma_wait3A_369 : memref<128xi32, #tpu.memory_space<hbm>>) dst(%arg14 : memref<128xi32, #tpu.memory_space<vmem>>)
      %dma_wait3A_370 = arith.constant 0 : i32
      %dma_wait3A_371 = arith.constant 0 : i32
      %dma_wait3A_372 = tpu.memref_slice %arg17[%dma_wait3A_370, %dma_wait3A_371] : memref<10240x128xf32, #tpu.memory_space<vmem_shared>> -> memref<10240x128xf32, #tpu.memory_space<vmem_shared>>
      tpu.wait_indirect_dma semaphore(%arg21 : memref<!tpu.dma_semaphore, #tpu.memory_space<semaphore_mem>>) src(%arg16 : memref<128x128xf32, #tpu.memory_space<vmem>>) dst(%dma_wait3A_372 : memref<10240x128xf32, #tpu.memory_space<vmem_shared>>)
      %dma_start3A_373 = arith.constant 0 : i32
      %dma_start3A_374 = arith.constant 0 : i32
      %dma_start3A_375 = tpu.memref_slice %arg2[%dma_start3A_373, %dma_start3A_374] : memref<20000x128xf32, #tpu.memory_space<hbm>> -> memref<20000x128xf32, #tpu.memory_space<hbm>>
      tpu.enqueue_indirect_dma source(%dma_start3A_375 : memref<20000x128xf32, #tpu.memory_space<hbm>>) target(%arg16 : memref<128x128xf32, #tpu.memory_space<vmem>>) offsets(%arg10 : memref<128xi32, #tpu.memory_space<vmem>>) semaphore(%arg19 : memref<!tpu.dma_semaphore, #tpu.memory_space<semaphore_mem>>)
      %dma_wait3A_376 = arith.constant 0 : i32
      %dma_wait3A_377 = arith.constant 0 : i32
      %dma_wait3A_378 = tpu.memref_slice %arg2[%dma_wait3A_376, %dma_wait3A_377] : memref<20000x128xf32, #tpu.memory_space<hbm>> -> memref<20000x128xf32, #tpu.memory_space<hbm>>
      tpu.wait_indirect_dma semaphore(%arg18 : memref<!tpu.dma_semaphore, #tpu.memory_space<semaphore_mem>>) src(%dma_wait3A_378 : memref<20000x128xf32, #tpu.memory_space<hbm>>) dst(%arg15 : memref<128x128xf32, #tpu.memory_space<vmem>>)
      %dma_start3A_379 = arith.constant 0 : i32
      %dma_start3A_380 = arith.constant 0 : i32
      %dma_start3A_381 = tpu.memref_slice %arg17[%dma_start3A_379, %dma_start3A_380] : memref<10240x128xf32, #tpu.memory_space<vmem_shared>> -> memref<10240x128xf32, #tpu.memory_space<vmem_shared>>
      tpu.enqueue_indirect_dma source(%arg15 : memref<128x128xf32, #tpu.memory_space<vmem>>) target(%dma_start3A_381 : memref<10240x128xf32, #tpu.memory_space<vmem_shared>>) offsets(%arg13 : memref<128xi32, #tpu.memory_space<vmem>>) semaphore(%arg20 : memref<!tpu.dma_semaphore, #tpu.memory_space<semaphore_mem>>) {add = true}
      %add3A_382 = arith.constant 3 : i32
      %add3A_383 = arith.addi %add3A_357, %add3A_382 : i32
      %mul3A_384 = arith.constant 128 : i32
      %mul3A_385 = arith.muli %add3A_383, %mul3A_384 : i32
      %add3A_386 = arith.addi %add3A, %mul3A_385 : i32
      %dma_start3A_387 = tpu.memref_slice %arg3[%add3A_386] : memref<327680xi32, #tpu.memory_space<hbm>> -> memref<128xi32, #tpu.memory_space<hbm>>
      %dma_start3A_388 = tpu.memref_slice %arg3[%add3A_386] : memref<327680xi32, #tpu.memory_space<hbm>> -> memref<128xi32, #tpu.memory_space<hbm>>
      tpu.enqueue_dma source(%dma_start3A_388 : memref<128xi32, #tpu.memory_space<hbm>>) target(%arg8 : memref<128xi32, #tpu.memory_space<vmem>>) target_semaphore(%arg23 : memref<!tpu.dma_semaphore, #tpu.memory_space<semaphore_mem>>)
      %mul3A_389 = arith.constant 128 : i32
      %mul3A_390 = arith.muli %add3A_383, %mul3A_389 : i32
      %add3A_391 = arith.addi %mul3A_0, %mul3A_390 : i32
      %dma_start3A_392 = tpu.memref_slice %arg4[%add3A_391] : memref<163840xi32, #tpu.memory_space<hbm>> -> memref<128xi32, #tpu.memory_space<hbm>>
      %dma_start3A_393 = tpu.memref_slice %arg4[%add3A_391] : memref<163840xi32, #tpu.memory_space<hbm>> -> memref<128xi32, #tpu.memory_space<hbm>>
      tpu.enqueue_dma source(%dma_start3A_393 : memref<128xi32, #tpu.memory_space<hbm>>) target(%arg12 : memref<128xi32, #tpu.memory_space<vmem>>) target_semaphore(%arg23 : memref<!tpu.dma_semaphore, #tpu.memory_space<semaphore_mem>>)
    }
    %scan3A_123 = arith.constant 18 : i32
    %add3A_124 = arith.constant 9728 : i32
    %add3A_125 = arith.addi %add3A, %add3A_124 : i32
    %dma_wait3A_126 = tpu.memref_slice %arg3[%add3A_125] : memref<327680xi32, #tpu.memory_space<hbm>> -> memref<128xi32, #tpu.memory_space<hbm>>
    %dma_wait3A_127 = tpu.memref_slice %arg3[%add3A_125] : memref<327680xi32, #tpu.memory_space<hbm>> -> memref<128xi32, #tpu.memory_space<hbm>>
    tpu.wait_dma2 semaphore(%arg22 : memref<!tpu.dma_semaphore, #tpu.memory_space<semaphore_mem>>) src(%dma_wait3A_127 : memref<128xi32, #tpu.memory_space<hbm>>) dst(%arg7 : memref<128xi32, #tpu.memory_space<vmem>>)
    %add3A_128 = arith.constant 9728 : i32
    %add3A_129 = arith.addi %mul3A_0, %add3A_128 : i32
    %dma_wait3A_130 = tpu.memref_slice %arg4[%add3A_129] : memref<163840xi32, #tpu.memory_space<hbm>> -> memref<128xi32, #tpu.memory_space<hbm>>
    %dma_wait3A_131 = tpu.memref_slice %arg4[%add3A_129] : memref<163840xi32, #tpu.memory_space<hbm>> -> memref<128xi32, #tpu.memory_space<hbm>>
    tpu.wait_dma2 semaphore(%arg22 : memref<!tpu.dma_semaphore, #tpu.memory_space<semaphore_mem>>) src(%dma_wait3A_131 : memref<128xi32, #tpu.memory_space<hbm>>) dst(%arg11 : memref<128xi32, #tpu.memory_space<vmem>>)
    %dma_wait3A_132 = arith.constant 0 : i32
    %dma_wait3A_133 = arith.constant 0 : i32
    %dma_wait3A_134 = tpu.memref_slice %arg17[%dma_wait3A_132, %dma_wait3A_133] : memref<10240x128xf32, #tpu.memory_space<vmem_shared>> -> memref<10240x128xf32, #tpu.memory_space<vmem_shared>>
    tpu.wait_indirect_dma semaphore(%arg20 : memref<!tpu.dma_semaphore, #tpu.memory_space<semaphore_mem>>) src(%arg15 : memref<128x128xf32, #tpu.memory_space<vmem>>) dst(%dma_wait3A_134 : memref<10240x128xf32, #tpu.memory_space<vmem_shared>>)
    %dma_start3A_135 = arith.constant 0 : i32
    %dma_start3A_136 = arith.constant 0 : i32
    %dma_start3A_137 = tpu.memref_slice %arg2[%dma_start3A_135, %dma_start3A_136] : memref<20000x128xf32, #tpu.memory_space<hbm>> -> memref<20000x128xf32, #tpu.memory_space<hbm>>
    tpu.enqueue_indirect_dma source(%dma_start3A_137 : memref<20000x128xf32, #tpu.memory_space<hbm>>) target(%arg15 : memref<128x128xf32, #tpu.memory_space<vmem>>) offsets(%arg7 : memref<128xi32, #tpu.memory_space<vmem>>) semaphore(%arg18 : memref<!tpu.dma_semaphore, #tpu.memory_space<semaphore_mem>>)
    %dma_wait3A_138 = arith.constant 0 : i32
    %dma_wait3A_139 = arith.constant 0 : i32
    %dma_wait3A_140 = tpu.memref_slice %arg2[%dma_wait3A_138, %dma_wait3A_139] : memref<20000x128xf32, #tpu.memory_space<hbm>> -> memref<20000x128xf32, #tpu.memory_space<hbm>>
    tpu.wait_indirect_dma semaphore(%arg19 : memref<!tpu.dma_semaphore, #tpu.memory_space<semaphore_mem>>) src(%dma_wait3A_140 : memref<20000x128xf32, #tpu.memory_space<hbm>>) dst(%arg16 : memref<128x128xf32, #tpu.memory_space<vmem>>)
    %dma_start3A_141 = arith.constant 0 : i32
    %dma_start3A_142 = arith.constant 0 : i32
    %dma_start3A_143 = tpu.memref_slice %arg17[%dma_start3A_141, %dma_start3A_142] : memref<10240x128xf32, #tpu.memory_space<vmem_shared>> -> memref<10240x128xf32, #tpu.memory_space<vmem_shared>>
    tpu.enqueue_indirect_dma source(%arg16 : memref<128x128xf32, #tpu.memory_space<vmem>>) target(%dma_start3A_143 : memref<10240x128xf32, #tpu.memory_space<vmem_shared>>) offsets(%arg14 : memref<128xi32, #tpu.memory_space<vmem>>) semaphore(%arg21 : memref<!tpu.dma_semaphore, #tpu.memory_space<semaphore_mem>>) {add = true}
    %add3A_144 = arith.constant 9984 : i32
    %add3A_145 = arith.addi %add3A, %add3A_144 : i32
    %dma_start3A_146 = tpu.memref_slice %arg3[%add3A_145] : memref<327680xi32, #tpu.memory_space<hbm>> -> memref<128xi32, #tpu.memory_space<hbm>>
    %dma_start3A_147 = tpu.memref_slice %arg3[%add3A_145] : memref<327680xi32, #tpu.memory_space<hbm>> -> memref<128xi32, #tpu.memory_space<hbm>>
    tpu.enqueue_dma source(%dma_start3A_147 : memref<128xi32, #tpu.memory_space<hbm>>) target(%arg9 : memref<128xi32, #tpu.memory_space<vmem>>) target_semaphore(%arg24 : memref<!tpu.dma_semaphore, #tpu.memory_space<semaphore_mem>>)
    %add3A_148 = arith.constant 9984 : i32
    %add3A_149 = arith.addi %mul3A_0, %add3A_148 : i32
    %dma_start3A_150 = tpu.memref_slice %arg4[%add3A_149] : memref<163840xi32, #tpu.memory_space<hbm>> -> memref<128xi32, #tpu.memory_space<hbm>>
    %dma_start3A_151 = tpu.memref_slice %arg4[%add3A_149] : memref<163840xi32, #tpu.memory_space<hbm>> -> memref<128xi32, #tpu.memory_space<hbm>>
    tpu.enqueue_dma source(%dma_start3A_151 : memref<128xi32, #tpu.memory_space<hbm>>) target(%arg13 : memref<128xi32, #tpu.memory_space<vmem>>) target_semaphore(%arg24 : memref<!tpu.dma_semaphore, #tpu.memory_space<semaphore_mem>>)
    %add3A_152 = arith.constant 9856 : i32
    %add3A_153 = arith.addi %add3A, %add3A_152 : i32
    %dma_wait3A_154 = tpu.memref_slice %arg3[%add3A_153] : memref<327680xi32, #tpu.memory_space<hbm>> -> memref<128xi32, #tpu.memory_space<hbm>>
    %dma_wait3A_155 = tpu.memref_slice %arg3[%add3A_153] : memref<327680xi32, #tpu.memory_space<hbm>> -> memref<128xi32, #tpu.memory_space<hbm>>
    tpu.wait_dma2 semaphore(%arg23 : memref<!tpu.dma_semaphore, #tpu.memory_space<semaphore_mem>>) src(%dma_wait3A_155 : memref<128xi32, #tpu.memory_space<hbm>>) dst(%arg8 : memref<128xi32, #tpu.memory_space<vmem>>)
    %add3A_156 = arith.constant 9856 : i32
    %add3A_157 = arith.addi %mul3A_0, %add3A_156 : i32
    %dma_wait3A_158 = tpu.memref_slice %arg4[%add3A_157] : memref<163840xi32, #tpu.memory_space<hbm>> -> memref<128xi32, #tpu.memory_space<hbm>>
    %dma_wait3A_159 = tpu.memref_slice %arg4[%add3A_157] : memref<163840xi32, #tpu.memory_space<hbm>> -> memref<128xi32, #tpu.memory_space<hbm>>
    tpu.wait_dma2 semaphore(%arg23 : memref<!tpu.dma_semaphore, #tpu.memory_space<semaphore_mem>>) src(%dma_wait3A_159 : memref<128xi32, #tpu.memory_space<hbm>>) dst(%arg12 : memref<128xi32, #tpu.memory_space<vmem>>)
    %dma_wait3A_160 = arith.constant 0 : i32
    %dma_wait3A_161 = arith.constant 0 : i32
    %dma_wait3A_162 = tpu.memref_slice %arg17[%dma_wait3A_160, %dma_wait3A_161] : memref<10240x128xf32, #tpu.memory_space<vmem_shared>> -> memref<10240x128xf32, #tpu.memory_space<vmem_shared>>
    tpu.wait_indirect_dma semaphore(%arg21 : memref<!tpu.dma_semaphore, #tpu.memory_space<semaphore_mem>>) src(%arg16 : memref<128x128xf32, #tpu.memory_space<vmem>>) dst(%dma_wait3A_162 : memref<10240x128xf32, #tpu.memory_space<vmem_shared>>)
    %dma_start3A_163 = arith.constant 0 : i32
    %dma_start3A_164 = arith.constant 0 : i32
    %dma_start3A_165 = tpu.memref_slice %arg2[%dma_start3A_163, %dma_start3A_164] : memref<20000x128xf32, #tpu.memory_space<hbm>> -> memref<20000x128xf32, #tpu.memory_space<hbm>>
    tpu.enqueue_indirect_dma source(%dma_start3A_165 : memref<20000x128xf32, #tpu.memory_space<hbm>>) target(%arg16 : memref<128x128xf32, #tpu.memory_space<vmem>>) offsets(%arg8 : memref<128xi32, #tpu.memory_space<vmem>>) semaphore(%arg19 : memref<!tpu.dma_semaphore, #tpu.memory_space<semaphore_mem>>)
    %dma_wait3A_166 = arith.constant 0 : i32
    %dma_wait3A_167 = arith.constant 0 : i32
    %dma_wait3A_168 = tpu.memref_slice %arg2[%dma_wait3A_166, %dma_wait3A_167] : memref<20000x128xf32, #tpu.memory_space<hbm>> -> memref<20000x128xf32, #tpu.memory_space<hbm>>
    tpu.wait_indirect_dma semaphore(%arg18 : memref<!tpu.dma_semaphore, #tpu.memory_space<semaphore_mem>>) src(%dma_wait3A_168 : memref<20000x128xf32, #tpu.memory_space<hbm>>) dst(%arg15 : memref<128x128xf32, #tpu.memory_space<vmem>>)
    %dma_start3A_169 = arith.constant 0 : i32
    %dma_start3A_170 = arith.constant 0 : i32
    %dma_start3A_171 = tpu.memref_slice %arg17[%dma_start3A_169, %dma_start3A_170] : memref<10240x128xf32, #tpu.memory_space<vmem_shared>> -> memref<10240x128xf32, #tpu.memory_space<vmem_shared>>
    tpu.enqueue_indirect_dma source(%arg15 : memref<128x128xf32, #tpu.memory_space<vmem>>) target(%dma_start3A_171 : memref<10240x128xf32, #tpu.memory_space<vmem_shared>>) offsets(%arg11 : memref<128xi32, #tpu.memory_space<vmem>>) semaphore(%arg20 : memref<!tpu.dma_semaphore, #tpu.memory_space<semaphore_mem>>) {add = true}
    %add3A_172 = arith.constant 10112 : i32
    %add3A_173 = arith.addi %add3A, %add3A_172 : i32
    %dma_start3A_174 = tpu.memref_slice %arg3[%add3A_173] : memref<327680xi32, #tpu.memory_space<hbm>> -> memref<128xi32, #tpu.memory_space<hbm>>
    %dma_start3A_175 = tpu.memref_slice %arg3[%add3A_173] : memref<327680xi32, #tpu.memory_space<hbm>> -> memref<128xi32, #tpu.memory_space<hbm>>
    tpu.enqueue_dma source(%dma_start3A_175 : memref<128xi32, #tpu.memory_space<hbm>>) target(%arg10 : memref<128xi32, #tpu.memory_space<vmem>>) target_semaphore(%arg25 : memref<!tpu.dma_semaphore, #tpu.memory_space<semaphore_mem>>)
    %add3A_176 = arith.constant 10112 : i32
    %add3A_177 = arith.addi %mul3A_0, %add3A_176 : i32
    %dma_start3A_178 = tpu.memref_slice %arg4[%add3A_177] : memref<163840xi32, #tpu.memory_space<hbm>> -> memref<128xi32, #tpu.memory_space<hbm>>
    %dma_start3A_179 = tpu.memref_slice %arg4[%add3A_177] : memref<163840xi32, #tpu.memory_space<hbm>> -> memref<128xi32, #tpu.memory_space<hbm>>
    tpu.enqueue_dma source(%dma_start3A_179 : memref<128xi32, #tpu.memory_space<hbm>>) target(%arg14 : memref<128xi32, #tpu.memory_space<vmem>>) target_semaphore(%arg25 : memref<!tpu.dma_semaphore, #tpu.memory_space<semaphore_mem>>)
    %add3A_180 = arith.constant 9984 : i32
    %add3A_181 = arith.addi %add3A, %add3A_180 : i32
    %dma_wait3A_182 = tpu.memref_slice %arg3[%add3A_181] : memref<327680xi32, #tpu.memory_space<hbm>> -> memref<128xi32, #tpu.memory_space<hbm>>
    %dma_wait3A_183 = tpu.memref_slice %arg3[%add3A_181] : memref<327680xi32, #tpu.memory_space<hbm>> -> memref<128xi32, #tpu.memory_space<hbm>>
    tpu.wait_dma2 semaphore(%arg24 : memref<!tpu.dma_semaphore, #tpu.memory_space<semaphore_mem>>) src(%dma_wait3A_183 : memref<128xi32, #tpu.memory_space<hbm>>) dst(%arg9 : memref<128xi32, #tpu.memory_space<vmem>>)
    %add3A_184 = arith.constant 9984 : i32
    %add3A_185 = arith.addi %mul3A_0, %add3A_184 : i32
    %dma_wait3A_186 = tpu.memref_slice %arg4[%add3A_185] : memref<163840xi32, #tpu.memory_space<hbm>> -> memref<128xi32, #tpu.memory_space<hbm>>
    %dma_wait3A_187 = tpu.memref_slice %arg4[%add3A_185] : memref<163840xi32, #tpu.memory_space<hbm>> -> memref<128xi32, #tpu.memory_space<hbm>>
    tpu.wait_dma2 semaphore(%arg24 : memref<!tpu.dma_semaphore, #tpu.memory_space<semaphore_mem>>) src(%dma_wait3A_187 : memref<128xi32, #tpu.memory_space<hbm>>) dst(%arg13 : memref<128xi32, #tpu.memory_space<vmem>>)
    %dma_wait3A_188 = arith.constant 0 : i32
    %dma_wait3A_189 = arith.constant 0 : i32
    %dma_wait3A_190 = tpu.memref_slice %arg17[%dma_wait3A_188, %dma_wait3A_189] : memref<10240x128xf32, #tpu.memory_space<vmem_shared>> -> memref<10240x128xf32, #tpu.memory_space<vmem_shared>>
    tpu.wait_indirect_dma semaphore(%arg20 : memref<!tpu.dma_semaphore, #tpu.memory_space<semaphore_mem>>) src(%arg15 : memref<128x128xf32, #tpu.memory_space<vmem>>) dst(%dma_wait3A_190 : memref<10240x128xf32, #tpu.memory_space<vmem_shared>>)
    %dma_start3A_191 = arith.constant 0 : i32
    %dma_start3A_192 = arith.constant 0 : i32
    %dma_start3A_193 = tpu.memref_slice %arg2[%dma_start3A_191, %dma_start3A_192] : memref<20000x128xf32, #tpu.memory_space<hbm>> -> memref<20000x128xf32, #tpu.memory_space<hbm>>
    tpu.enqueue_indirect_dma source(%dma_start3A_193 : memref<20000x128xf32, #tpu.memory_space<hbm>>) target(%arg15 : memref<128x128xf32, #tpu.memory_space<vmem>>) offsets(%arg9 : memref<128xi32, #tpu.memory_space<vmem>>) semaphore(%arg18 : memref<!tpu.dma_semaphore, #tpu.memory_space<semaphore_mem>>)
    %dma_wait3A_194 = arith.constant 0 : i32
    %dma_wait3A_195 = arith.constant 0 : i32
    %dma_wait3A_196 = tpu.memref_slice %arg2[%dma_wait3A_194, %dma_wait3A_195] : memref<20000x128xf32, #tpu.memory_space<hbm>> -> memref<20000x128xf32, #tpu.memory_space<hbm>>
    tpu.wait_indirect_dma semaphore(%arg19 : memref<!tpu.dma_semaphore, #tpu.memory_space<semaphore_mem>>) src(%dma_wait3A_196 : memref<20000x128xf32, #tpu.memory_space<hbm>>) dst(%arg16 : memref<128x128xf32, #tpu.memory_space<vmem>>)
    %dma_start3A_197 = arith.constant 0 : i32
    %dma_start3A_198 = arith.constant 0 : i32
    %dma_start3A_199 = tpu.memref_slice %arg17[%dma_start3A_197, %dma_start3A_198] : memref<10240x128xf32, #tpu.memory_space<vmem_shared>> -> memref<10240x128xf32, #tpu.memory_space<vmem_shared>>
    tpu.enqueue_indirect_dma source(%arg16 : memref<128x128xf32, #tpu.memory_space<vmem>>) target(%dma_start3A_199 : memref<10240x128xf32, #tpu.memory_space<vmem_shared>>) offsets(%arg12 : memref<128xi32, #tpu.memory_space<vmem>>) semaphore(%arg21 : memref<!tpu.dma_semaphore, #tpu.memory_space<semaphore_mem>>) {add = true}
    %add3A_200 = arith.constant 10112 : i32
    %add3A_201 = arith.addi %add3A, %add3A_200 : i32
    %dma_wait3A_202 = tpu.memref_slice %arg3[%add3A_201] : memref<327680xi32, #tpu.memory_space<hbm>> -> memref<128xi32, #tpu.memory_space<hbm>>
    %dma_wait3A_203 = tpu.memref_slice %arg3[%add3A_201] : memref<327680xi32, #tpu.memory_space<hbm>> -> memref<128xi32, #tpu.memory_space<hbm>>
    tpu.wait_dma2 semaphore(%arg25 : memref<!tpu.dma_semaphore, #tpu.memory_space<semaphore_mem>>) src(%dma_wait3A_203 : memref<128xi32, #tpu.memory_space<hbm>>) dst(%arg10 : memref<128xi32, #tpu.memory_space<vmem>>)
    %add3A_204 = arith.constant 10112 : i32
    %add3A_205 = arith.addi %mul3A_0, %add3A_204 : i32
    %dma_wait3A_206 = tpu.memref_slice %arg4[%add3A_205] : memref<163840xi32, #tpu.memory_space<hbm>> -> memref<128xi32, #tpu.memory_space<hbm>>
    %dma_wait3A_207 = tpu.memref_slice %arg4[%add3A_205] : memref<163840xi32, #tpu.memory_space<hbm>> -> memref<128xi32, #tpu.memory_space<hbm>>
    tpu.wait_dma2 semaphore(%arg25 : memref<!tpu.dma_semaphore, #tpu.memory_space<semaphore_mem>>) src(%dma_wait3A_207 : memref<128xi32, #tpu.memory_space<hbm>>) dst(%arg14 : memref<128xi32, #tpu.memory_space<vmem>>)
    %dma_wait3A_208 = arith.constant 0 : i32
    %dma_wait3A_209 = arith.constant 0 : i32
    %dma_wait3A_210 = tpu.memref_slice %arg17[%dma_wait3A_208, %dma_wait3A_209] : memref<10240x128xf32, #tpu.memory_space<vmem_shared>> -> memref<10240x128xf32, #tpu.memory_space<vmem_shared>>
    tpu.wait_indirect_dma semaphore(%arg21 : memref<!tpu.dma_semaphore, #tpu.memory_space<semaphore_mem>>) src(%arg16 : memref<128x128xf32, #tpu.memory_space<vmem>>) dst(%dma_wait3A_210 : memref<10240x128xf32, #tpu.memory_space<vmem_shared>>)
    %dma_start3A_211 = arith.constant 0 : i32
    %dma_start3A_212 = arith.constant 0 : i32
    %dma_start3A_213 = tpu.memref_slice %arg2[%dma_start3A_211, %dma_start3A_212] : memref<20000x128xf32, #tpu.memory_space<hbm>> -> memref<20000x128xf32, #tpu.memory_space<hbm>>
    tpu.enqueue_indirect_dma source(%dma_start3A_213 : memref<20000x128xf32, #tpu.memory_space<hbm>>) target(%arg16 : memref<128x128xf32, #tpu.memory_space<vmem>>) offsets(%arg10 : memref<128xi32, #tpu.memory_space<vmem>>) semaphore(%arg19 : memref<!tpu.dma_semaphore, #tpu.memory_space<semaphore_mem>>)
    %dma_wait3A_214 = arith.constant 0 : i32
    %dma_wait3A_215 = arith.constant 0 : i32
    %dma_wait3A_216 = tpu.memref_slice %arg2[%dma_wait3A_214, %dma_wait3A_215] : memref<20000x128xf32, #tpu.memory_space<hbm>> -> memref<20000x128xf32, #tpu.memory_space<hbm>>
    tpu.wait_indirect_dma semaphore(%arg18 : memref<!tpu.dma_semaphore, #tpu.memory_space<semaphore_mem>>) src(%dma_wait3A_216 : memref<20000x128xf32, #tpu.memory_space<hbm>>) dst(%arg15 : memref<128x128xf32, #tpu.memory_space<vmem>>)
    %dma_start3A_217 = arith.constant 0 : i32
    %dma_start3A_218 = arith.constant 0 : i32
    %dma_start3A_219 = tpu.memref_slice %arg17[%dma_start3A_217, %dma_start3A_218] : memref<10240x128xf32, #tpu.memory_space<vmem_shared>> -> memref<10240x128xf32, #tpu.memory_space<vmem_shared>>
    tpu.enqueue_indirect_dma source(%arg15 : memref<128x128xf32, #tpu.memory_space<vmem>>) target(%dma_start3A_219 : memref<10240x128xf32, #tpu.memory_space<vmem_shared>>) offsets(%arg13 : memref<128xi32, #tpu.memory_space<vmem>>) semaphore(%arg20 : memref<!tpu.dma_semaphore, #tpu.memory_space<semaphore_mem>>) {add = true}
    %dma_wait3A_220 = arith.constant 0 : i32
    %dma_wait3A_221 = arith.constant 0 : i32
    %dma_wait3A_222 = tpu.memref_slice %arg17[%dma_wait3A_220, %dma_wait3A_221] : memref<10240x128xf32, #tpu.memory_space<vmem_shared>> -> memref<10240x128xf32, #tpu.memory_space<vmem_shared>>
    tpu.wait_indirect_dma semaphore(%arg20 : memref<!tpu.dma_semaphore, #tpu.memory_space<semaphore_mem>>) src(%arg15 : memref<128x128xf32, #tpu.memory_space<vmem>>) dst(%dma_wait3A_222 : memref<10240x128xf32, #tpu.memory_space<vmem_shared>>)
    %dma_wait3A_223 = arith.constant 0 : i32
    %dma_wait3A_224 = arith.constant 0 : i32
    %dma_wait3A_225 = tpu.memref_slice %arg2[%dma_wait3A_223, %dma_wait3A_224] : memref<20000x128xf32, #tpu.memory_space<hbm>> -> memref<20000x128xf32, #tpu.memory_space<hbm>>
    tpu.wait_indirect_dma semaphore(%arg19 : memref<!tpu.dma_semaphore, #tpu.memory_space<semaphore_mem>>) src(%dma_wait3A_225 : memref<20000x128xf32, #tpu.memory_space<hbm>>) dst(%arg16 : memref<128x128xf32, #tpu.memory_space<vmem>>)
    %dma_start3A_226 = arith.constant 0 : i32
    %dma_start3A_227 = arith.constant 0 : i32
    %dma_start3A_228 = tpu.memref_slice %arg17[%dma_start3A_226, %dma_start3A_227] : memref<10240x128xf32, #tpu.memory_space<vmem_shared>> -> memref<10240x128xf32, #tpu.memory_space<vmem_shared>>
    tpu.enqueue_indirect_dma source(%arg16 : memref<128x128xf32, #tpu.memory_space<vmem>>) target(%dma_start3A_228 : memref<10240x128xf32, #tpu.memory_space<vmem_shared>>) offsets(%arg14 : memref<128xi32, #tpu.memory_space<vmem>>) semaphore(%arg21 : memref<!tpu.dma_semaphore, #tpu.memory_space<semaphore_mem>>) {add = true}
    %dma_wait3A_229 = arith.constant 0 : i32
    %dma_wait3A_230 = arith.constant 0 : i32
    %dma_wait3A_231 = tpu.memref_slice %arg17[%dma_wait3A_229, %dma_wait3A_230] : memref<10240x128xf32, #tpu.memory_space<vmem_shared>> -> memref<10240x128xf32, #tpu.memory_space<vmem_shared>>
    tpu.wait_indirect_dma semaphore(%arg21 : memref<!tpu.dma_semaphore, #tpu.memory_space<semaphore_mem>>) src(%arg16 : memref<128x128xf32, #tpu.memory_space<vmem>>) dst(%dma_wait3A_231 : memref<10240x128xf32, #tpu.memory_space<vmem_shared>>)
    %barrier3A_232 = arith.constant 0 : index
    tpu.barrier barrier_id(%barrier3A_232)
    %mul3A_233 = arith.constant 640 : i32
    %mul3A_234 = arith.muli %arg1, %mul3A_233 : i32
    %mul3A_235 = arith.constant 640 : i32
    %mul3A_236 = arith.muli %arg1, %mul3A_235 : i32
    "tpu.region"() ({
      %run_scoped3A = tpu.sem_alloc : memref<!tpu.dma_semaphore, #tpu.memory_space<semaphore_mem>>
      %dma_start3A_237 = arith.constant 0 : i32
      %dma_start3A_238 = tpu.memref_slice %arg6[%arg0, %mul3A_236, %dma_start3A_237] : memref<2x10240x128xf32, #tpu.memory_space<hbm>> -> memref<1x640x128xf32, #tpu.memory_space<hbm>>
      %dma_start3A_239 = tpu.memref_squeeze %dma_start3A_238 : memref<1x640x128xf32, #tpu.memory_space<hbm>> -> memref<640x128xf32, #tpu.memory_space<hbm>>
      %dma_start3A_240 = arith.constant 0 : i32
      %dma_start3A_241 = tpu.memref_slice %arg17[%mul3A_234, %dma_start3A_240] : memref<10240x128xf32, #tpu.memory_space<vmem_shared>> -> memref<640x128xf32, #tpu.memory_space<vmem_shared>>
      tpu.enqueue_dma source(%dma_start3A_241 : memref<640x128xf32, #tpu.memory_space<vmem_shared>>) target(%dma_start3A_239 : memref<640x128xf32, #tpu.memory_space<hbm>>) target_semaphore(%run_scoped3A : memref<!tpu.dma_semaphore, #tpu.memory_space<semaphore_mem>>)
      %dma_wait3A_242 = arith.constant 0 : i32
      %dma_wait3A_243 = tpu.memref_slice %arg6[%arg0, %mul3A_236, %dma_wait3A_242] : memref<2x10240x128xf32, #tpu.memory_space<hbm>> -> memref<1x640x128xf32, #tpu.memory_space<hbm>>
      %dma_wait3A_244 = tpu.memref_squeeze %dma_wait3A_243 : memref<1x640x128xf32, #tpu.memory_space<hbm>> -> memref<640x128xf32, #tpu.memory_space<hbm>>
      %dma_wait3A_245 = arith.constant 0 : i32
      %dma_wait3A_246 = tpu.memref_slice %arg17[%mul3A_234, %dma_wait3A_245] : memref<10240x128xf32, #tpu.memory_space<vmem_shared>> -> memref<640x128xf32, #tpu.memory_space<vmem_shared>>
      tpu.wait_dma2 semaphore(%run_scoped3A : memref<!tpu.dma_semaphore, #tpu.memory_space<semaphore_mem>>) src(%dma_wait3A_246 : memref<640x128xf32, #tpu.memory_space<vmem_shared>>) dst(%dma_wait3A_244 : memref<640x128xf32, #tpu.memory_space<hbm>>)
      tpu.yield
    }) : () -> ()
    return
  }
}

module attributes {stable_mosaic.version = 14 : i64} {
  func.func @body(%arg0: i32, %arg1: memref<1000x256xf32, #tpu.memory_space<vmem>>, %arg2: memref<1x1000x128xf32, #tpu.memory_space<vmem>>, %arg3: memref<1x1000x128xf32, #tpu.memory_space<vmem>>, %arg4: memref<256x768xf32, #tpu.memory_space<vmem>>, %arg5: memref<1x768xf32, #tpu.memory_space<vmem>>, %arg6: memref<256x768xf32, #tpu.memory_space<vmem>>, %arg7: memref<1x768xf32, #tpu.memory_space<vmem>>, %arg8: memref<1x1x1000xi32, #tpu.memory_space<vmem>>, %arg9: memref<1000x768xf32, #tpu.memory_space<vmem>>, %arg10: memref<64x768xf32, #tpu.memory_space<vmem>>, %arg11: memref<64x768xf32, #tpu.memory_space<vmem>>, %arg12: memref<64x256xf32, #tpu.memory_space<vmem>>) attributes {dimension_semantics = [#tpu.dimension_semantics<arbitrary>], iteration_bounds = array<i64: 10>, scalar_prefetch = 0 : i64, scratch_operands = 0 : i64, tpu.core_type = #tpu.core_type<tc>, window_params = [{transform_indices = @transform_0, window_bounds = array<i64: 1000, 256>}, {transform_indices = @transform_1, window_bounds = array<i64: 1, 1000, 128>}, {transform_indices = @transform_2, window_bounds = array<i64: 1, 1000, 128>}, {pipeline_mode = #tpu.pipeline_mode<synchronous>, transform_indices = @transform_3, window_bounds = array<i64: 256, 768>}, {pipeline_mode = #tpu.pipeline_mode<synchronous>, transform_indices = @transform_4, window_bounds = array<i64: 1, 768>}, {pipeline_mode = #tpu.pipeline_mode<synchronous>, transform_indices = @transform_5, window_bounds = array<i64: 256, 768>}, {pipeline_mode = #tpu.pipeline_mode<synchronous>, transform_indices = @transform_6, window_bounds = array<i64: 1, 768>}, {transform_indices = @transform_7, window_bounds = array<i64: 1, 1, 1000>}, {transform_indices = @transform_8, window_bounds = array<i64: 1000, 768>}, {pipeline_mode = #tpu.pipeline_mode<synchronous>, transform_indices = @transform_9, window_bounds = array<i64: 64, 768>}, {pipeline_mode = #tpu.pipeline_mode<synchronous>, transform_indices = @transform_10, window_bounds = array<i64: 64, 768>}, {pipeline_mode = #tpu.pipeline_mode<synchronous>, transform_indices = @transform_11, window_bounds = array<i64: 64, 256>}]} {
    %get3A = arith.constant 0 : index
    %get3A_0 = arith.constant 0 : index
    %get3A_1 = vector.load %arg1[%get3A, %get3A_0] : memref<1000x256xf32, #tpu.memory_space<vmem>>, vector<1000x256xf32>
    %get3A_2 = arith.constant 0 : index
    %get3A_3 = arith.constant 0 : index
    %get3A_4 = arith.constant 0 : index
    %get3A_5 = vector.load %arg2[%get3A_2, %get3A_3, %get3A_4] : memref<1x1000x128xf32, #tpu.memory_space<vmem>>, vector<1x1000x128xf32>
    %get3A_6 = vector.shape_cast %get3A_5 : vector<1x1000x128xf32> to vector<1000x128xf32>
    %get3A_7 = arith.constant 0 : index
    %get3A_8 = arith.constant 0 : index
    %get3A_9 = arith.constant 0 : index
    %get3A_10 = vector.load %arg3[%get3A_7, %get3A_8, %get3A_9] : memref<1x1000x128xf32, #tpu.memory_space<vmem>>, vector<1x1000x128xf32>
    %get3A_11 = vector.shape_cast %get3A_10 : vector<1x1000x128xf32> to vector<1000x128xf32>
    %concatenate3A = tpu.concatenate %get3A_6, %get3A_11 in 1 : vector<1000x128xf32>, vector<1000x128xf32> -> vector<1000x256xf32>
    %add3A = arith.addf %get3A_1, %concatenate3A : vector<1000x256xf32>
    %get3A_12 = arith.constant 0 : index
    %get3A_13 = arith.constant 0 : index
    %get3A_14 = vector.load %arg4[%get3A_12, %get3A_13] : memref<256x768xf32, #tpu.memory_space<vmem>>, vector<256x768xf32>
    %dot_general3A = arith.constant dense<0.000000e+00> : vector<1000x768xf32>
    %dot_general3A_15 = tpu.matmul %add3A, %get3A_14, %dot_general3A {dimension_numbers = #tpu.dot_dimension_numbers<[1], [0], [0], [1], [0, 0, 1, 1], [], []>, transpose_lhs_hint = false} : vector<1000x256xf32>, vector<256x768xf32>, vector<1000x768xf32> -> vector<1000x768xf32>
    %get3A_16 = arith.constant 0 : index
    %get3A_17 = arith.constant 0 : index
    %get3A_18 = vector.load %arg5[%get3A_16, %get3A_17] : memref<1x768xf32, #tpu.memory_space<vmem>>, vector<1x768xf32>
    %add3A_19 = vector.broadcast %get3A_18 : vector<1x768xf32> to vector<1000x768xf32>
    %add3A_20 = arith.addf %dot_general3A_15, %add3A_19 : vector<1000x768xf32>
    %max3A = arith.constant 0.000000e+00 : f32
    %max3A_21 = vector.broadcast %max3A : f32 to vector<1000x768xf32>
    %max3A_22 = arith.maximumf %add3A_20, %max3A_21 : vector<1000x768xf32>
    %slice3A = vector.extract_strided_slice %max3A_22 {offsets = [0, 0], sizes = [1000, 256], strides = [1, 1]} : vector<1000x768xf32> to vector<1000x256xf32>
    %get3A_23 = arith.constant 0 : index
    %get3A_24 = arith.constant 0 : index
    %get3A_25 = vector.load %arg6[%get3A_23, %get3A_24] : memref<256x768xf32, #tpu.memory_space<vmem>>, vector<256x256xf32>
    %dot_general3A_26 = arith.constant dense<0.000000e+00> : vector<1000x256xf32>
    %dot_general3A_27 = tpu.matmul %slice3A, %get3A_25, %dot_general3A_26 {dimension_numbers = #tpu.dot_dimension_numbers<[1], [0], [0], [1], [0, 0, 1, 1], [], []>, transpose_lhs_hint = false} : vector<1000x256xf32>, vector<256x256xf32>, vector<1000x256xf32> -> vector<1000x256xf32>
    %get3A_28 = arith.constant 0 : index
    %get3A_29 = arith.constant 0 : index
    %get3A_30 = vector.load %arg7[%get3A_28, %get3A_29] : memref<1x768xf32, #tpu.memory_space<vmem>>, vector<1x256xf32>
    %add3A_31 = vector.broadcast %get3A_30 : vector<1x256xf32> to vector<1000x256xf32>
    %add3A_32 = arith.addf %dot_general3A_27, %add3A_31 : vector<1000x256xf32>
    %max3A_33 = arith.constant 0.000000e+00 : f32
    %max3A_34 = vector.broadcast %max3A_33 : f32 to vector<1000x256xf32>
    %max3A_35 = arith.maximumf %add3A_32, %max3A_34 : vector<1000x256xf32>
    %slice3A_36 = vector.extract_strided_slice %max3A_22 {offsets = [0, 256], sizes = [1000, 256], strides = [1, 1]} : vector<1000x768xf32> to vector<1000x256xf32>
    %get3A_37 = arith.constant 0 : index
    %get3A_38 = arith.constant 256 : index
    %get3A_39 = vector.load %arg6[%get3A_37, %get3A_38] : memref<256x768xf32, #tpu.memory_space<vmem>>, vector<256x256xf32>
    %dot_general3A_40 = arith.constant dense<0.000000e+00> : vector<1000x256xf32>
    %dot_general3A_41 = tpu.matmul %slice3A_36, %get3A_39, %dot_general3A_40 {dimension_numbers = #tpu.dot_dimension_numbers<[1], [0], [0], [1], [0, 0, 1, 1], [], []>, transpose_lhs_hint = false} : vector<1000x256xf32>, vector<256x256xf32>, vector<1000x256xf32> -> vector<1000x256xf32>
    %get3A_42 = arith.constant 0 : index
    %get3A_43 = arith.constant 256 : index
    %get3A_44 = vector.load %arg7[%get3A_42, %get3A_43] : memref<1x768xf32, #tpu.memory_space<vmem>>, vector<1x256xf32>
    %add3A_45 = vector.broadcast %get3A_44 : vector<1x256xf32> to vector<1000x256xf32>
    %add3A_46 = arith.addf %dot_general3A_41, %add3A_45 : vector<1000x256xf32>
    %max3A_47 = arith.constant 0.000000e+00 : f32
    %max3A_48 = vector.broadcast %max3A_47 : f32 to vector<1000x256xf32>
    %max3A_49 = arith.maximumf %add3A_46, %max3A_48 : vector<1000x256xf32>
    %slice3A_50 = vector.extract_strided_slice %max3A_22 {offsets = [0, 512], sizes = [1000, 256], strides = [1, 1]} : vector<1000x768xf32> to vector<1000x256xf32>
    %get3A_51 = arith.constant 0 : index
    %get3A_52 = arith.constant 512 : index
    %get3A_53 = vector.load %arg6[%get3A_51, %get3A_52] : memref<256x768xf32, #tpu.memory_space<vmem>>, vector<256x256xf32>
    %dot_general3A_54 = arith.constant dense<0.000000e+00> : vector<1000x256xf32>
    %dot_general3A_55 = tpu.matmul %slice3A_50, %get3A_53, %dot_general3A_54 {dimension_numbers = #tpu.dot_dimension_numbers<[1], [0], [0], [1], [0, 0, 1, 1], [], []>, transpose_lhs_hint = false} : vector<1000x256xf32>, vector<256x256xf32>, vector<1000x256xf32> -> vector<1000x256xf32>
    %get3A_56 = arith.constant 0 : index
    %get3A_57 = arith.constant 512 : index
    %get3A_58 = vector.load %arg7[%get3A_56, %get3A_57] : memref<1x768xf32, #tpu.memory_space<vmem>>, vector<1x256xf32>
    %add3A_59 = vector.broadcast %get3A_58 : vector<1x256xf32> to vector<1000x256xf32>
    %add3A_60 = arith.addf %dot_general3A_55, %add3A_59 : vector<1000x256xf32>
    %max3A_61 = arith.constant 0.000000e+00 : f32
    %max3A_62 = vector.broadcast %max3A_61 : f32 to vector<1000x256xf32>
    %max3A_63 = arith.maximumf %add3A_60, %max3A_62 : vector<1000x256xf32>
    %concatenate3A_64 = tpu.concatenate %max3A_35, %max3A_49, %max3A_63 in 1 : vector<1000x256xf32>, vector<1000x256xf32>, vector<1000x256xf32> -> vector<1000x768xf32>
    %swap3A = arith.constant 0 : index
    %swap3A_65 = arith.constant 0 : index
    %swap3A_66 = vector.load %arg9[%swap3A, %swap3A_65] : memref<1000x768xf32, #tpu.memory_space<vmem>>, vector<1000x768xf32>
    tpu.vector_store %arg9[%swap3A, %swap3A_65], %concatenate3A_64 {strides = array<i32>} : memref<1000x768xf32, #tpu.memory_space<vmem>>, vector<1000x768xf32>,
    %get3A_67 = arith.constant 0 : index
    %get3A_68 = arith.constant 0 : index
    %get3A_69 = arith.constant 0 : index
    %get3A_70 = vector.load %arg8[%get3A_67, %get3A_68, %get3A_69] : memref<1x1x1000xi32, #tpu.memory_space<vmem>>, vector<1x1x1000xi32>
    %get3A_71 = vector.shape_cast %get3A_70 : vector<1x1x1000xi32> to vector<1x1000xi32>
    %iota3A = tpu.iota {dimensions = array<i32: 0>} : vector<64x1000xi32>
    %eq3A = vector.broadcast %get3A_71 : vector<1x1000xi32> to vector<64x1000xi32>
    %eq3A_72 = arith.cmpi eq, %iota3A, %eq3A : vector<64x1000xi32>
    %convert_element_type3A = arith.extui %eq3A_72 : vector<64x1000xi1> to vector<64x1000xi32>
    %convert_element_type3A_73 = arith.sitofp %convert_element_type3A : vector<64x1000xi32> to vector<64x1000xf32>
    %dot_general3A_74 = arith.constant dense<0.000000e+00> : vector<64x768xf32>
    %dot_general3A_75 = tpu.matmul %convert_element_type3A_73, %concatenate3A_64, %dot_general3A_74 {dimension_numbers = #tpu.dot_dimension_numbers<[1], [0], [0], [1], [0, 0, 1, 1], [], []>, transpose_lhs_hint = false} : vector<64x1000xf32>, vector<1000x768xf32>, vector<64x768xf32> -> vector<64x768xf32>
    %eq3A_76 = arith.constant 0 : i32
    %eq3A_77 = arith.cmpi eq, %arg0, %eq3A_76 : i32
    %convert_element_type3A_78 = arith.extui %eq3A_77 : i1 to i32
    %cond3A = arith.constant 0 : i32
    %cond3A_79 = arith.cmpi ne, %convert_element_type3A_78, %cond3A : i32
    scf.if %cond3A_79 {
      %swap3A_109 = arith.constant 0 : index
      %swap3A_110 = arith.constant 0 : index
      %swap3A_111 = vector.load %arg10[%swap3A_109, %swap3A_110] : memref<64x768xf32, #tpu.memory_space<vmem>>, vector<64x768xf32>
      tpu.vector_store %arg10[%swap3A_109, %swap3A_110], %dot_general3A_75 {strides = array<i32>} : memref<64x768xf32, #tpu.memory_space<vmem>>, vector<64x768xf32>,
    } else {
    }
    %gt3A = arith.constant 0 : i32
    %gt3A_80 = arith.cmpi sgt, %arg0, %gt3A : i32
    %convert_element_type3A_81 = arith.extui %gt3A_80 : i1 to i32
    %cond3A_82 = arith.constant 0 : i32
    %cond3A_83 = arith.cmpi ne, %convert_element_type3A_81, %cond3A_82 : i32
    scf.if %cond3A_83 {
      %get3A_109 = arith.constant 0 : index
      %get3A_110 = arith.constant 0 : index
      %get3A_111 = vector.load %arg10[%get3A_109, %get3A_110] : memref<64x768xf32, #tpu.memory_space<vmem>>, vector<64x768xf32>
      %add3A_112 = arith.addf %get3A_111, %dot_general3A_75 : vector<64x768xf32>
      %swap3A_113 = arith.constant 0 : index
      %swap3A_114 = arith.constant 0 : index
      %swap3A_115 = vector.load %arg10[%swap3A_113, %swap3A_114] : memref<64x768xf32, #tpu.memory_space<vmem>>, vector<64x768xf32>
      tpu.vector_store %arg10[%swap3A_113, %swap3A_114], %add3A_112 {strides = array<i32>} : memref<64x768xf32, #tpu.memory_space<vmem>>, vector<64x768xf32>,
    } else {
    }
    %mul3A = arith.mulf %concatenate3A_64, %concatenate3A_64 : vector<1000x768xf32>
    %dot_general3A_84 = arith.constant dense<0.000000e+00> : vector<64x768xf32>
    %dot_general3A_85 = tpu.matmul %convert_element_type3A_73, %mul3A, %dot_general3A_84 {dimension_numbers = #tpu.dot_dimension_numbers<[1], [0], [0], [1], [0, 0, 1, 1], [], []>, transpose_lhs_hint = false} : vector<64x1000xf32>, vector<1000x768xf32>, vector<64x768xf32> -> vector<64x768xf32>
    %eq3A_86 = arith.constant 0 : i32
    %eq3A_87 = arith.cmpi eq, %arg0, %eq3A_86 : i32
    %convert_element_type3A_88 = arith.extui %eq3A_87 : i1 to i32
    %cond3A_89 = arith.constant 0 : i32
    %cond3A_90 = arith.cmpi ne, %convert_element_type3A_88, %cond3A_89 : i32
    scf.if %cond3A_90 {
      %swap3A_109 = arith.constant 0 : index
      %swap3A_110 = arith.constant 0 : index
      %swap3A_111 = vector.load %arg11[%swap3A_109, %swap3A_110] : memref<64x768xf32, #tpu.memory_space<vmem>>, vector<64x768xf32>
      tpu.vector_store %arg11[%swap3A_109, %swap3A_110], %dot_general3A_85 {strides = array<i32>} : memref<64x768xf32, #tpu.memory_space<vmem>>, vector<64x768xf32>,
    } else {
    }
    %gt3A_91 = arith.constant 0 : i32
    %gt3A_92 = arith.cmpi sgt, %arg0, %gt3A_91 : i32
    %convert_element_type3A_93 = arith.extui %gt3A_92 : i1 to i32
    %cond3A_94 = arith.constant 0 : i32
    %cond3A_95 = arith.cmpi ne, %convert_element_type3A_93, %cond3A_94 : i32
    scf.if %cond3A_95 {
      %get3A_109 = arith.constant 0 : index
      %get3A_110 = arith.constant 0 : index
      %get3A_111 = vector.load %arg11[%get3A_109, %get3A_110] : memref<64x768xf32, #tpu.memory_space<vmem>>, vector<64x768xf32>
      %add3A_112 = arith.addf %get3A_111, %dot_general3A_85 : vector<64x768xf32>
      %swap3A_113 = arith.constant 0 : index
      %swap3A_114 = arith.constant 0 : index
      %swap3A_115 = vector.load %arg11[%swap3A_113, %swap3A_114] : memref<64x768xf32, #tpu.memory_space<vmem>>, vector<64x768xf32>
      tpu.vector_store %arg11[%swap3A_113, %swap3A_114], %add3A_112 {strides = array<i32>} : memref<64x768xf32, #tpu.memory_space<vmem>>, vector<64x768xf32>,
    } else {
    }
    %broadcast_in_dim3A = arith.constant 1.000000e+00 : f32
    %broadcast_in_dim3A_96 = vector.broadcast %broadcast_in_dim3A : f32 to vector<1000x256xf32>
    %dot_general3A_97 = arith.constant dense<0.000000e+00> : vector<64x256xf32>
    %dot_general3A_98 = tpu.matmul %convert_element_type3A_73, %broadcast_in_dim3A_96, %dot_general3A_97 {dimension_numbers = #tpu.dot_dimension_numbers<[1], [0], [0], [1], [0, 0, 1, 1], [], []>, transpose_lhs_hint = false} : vector<64x1000xf32>, vector<1000x256xf32>, vector<64x256xf32> -> vector<64x256xf32>
    %eq3A_99 = arith.constant 0 : i32
    %eq3A_100 = arith.cmpi eq, %arg0, %eq3A_99 : i32
    %convert_element_type3A_101 = arith.extui %eq3A_100 : i1 to i32
    %cond3A_102 = arith.constant 0 : i32
    %cond3A_103 = arith.cmpi ne, %convert_element_type3A_101, %cond3A_102 : i32
    scf.if %cond3A_103 {
      %swap3A_109 = arith.constant 0 : index
      %swap3A_110 = arith.constant 0 : index
      %swap3A_111 = vector.load %arg12[%swap3A_109, %swap3A_110] : memref<64x256xf32, #tpu.memory_space<vmem>>, vector<64x256xf32>
      tpu.vector_store %arg12[%swap3A_109, %swap3A_110], %dot_general3A_98 {strides = array<i32>} : memref<64x256xf32, #tpu.memory_space<vmem>>, vector<64x256xf32>,
    } else {
    }
    %gt3A_104 = arith.constant 0 : i32
    %gt3A_105 = arith.cmpi sgt, %arg0, %gt3A_104 : i32
    %convert_element_type3A_106 = arith.extui %gt3A_105 : i1 to i32
    %cond3A_107 = arith.constant 0 : i32
    %cond3A_108 = arith.cmpi ne, %convert_element_type3A_106, %cond3A_107 : i32
    scf.if %cond3A_108 {
      %get3A_109 = arith.constant 0 : index
      %get3A_110 = arith.constant 0 : index
      %get3A_111 = vector.load %arg12[%get3A_109, %get3A_110] : memref<64x256xf32, #tpu.memory_space<vmem>>, vector<64x256xf32>
      %add3A_112 = arith.addf %get3A_111, %dot_general3A_98 : vector<64x256xf32>
      %swap3A_113 = arith.constant 0 : index
      %swap3A_114 = arith.constant 0 : index
      %swap3A_115 = vector.load %arg12[%swap3A_113, %swap3A_114] : memref<64x256xf32, #tpu.memory_space<vmem>>, vector<64x256xf32>
      tpu.vector_store %arg12[%swap3A_113, %swap3A_114], %add3A_112 {strides = array<i32>} : memref<64x256xf32, #tpu.memory_space<vmem>>, vector<64x256xf32>,
    } else {
    }
    return
  }
  func.func @transform_0(%arg0: i32) -> (i32, i32) {
    %c0_i32 = arith.constant 0 : i32
    %c0_i32_0 = arith.constant 0 : i32
    return %arg0, %c0_i32 : i32, i32
  }
  func.func @transform_1(%arg0: i32) -> (i32, i32, i32) {
    %c0_i32 = arith.constant 0 : i32
    %c0_i32_0 = arith.constant 0 : i32
    %c0_i32_1 = arith.constant 0 : i32
    return %c0_i32, %arg0, %c0_i32_0 : i32, i32, i32
  }
  func.func @transform_2(%arg0: i32) -> (i32, i32, i32) {
    %c1_i32 = arith.constant 1 : i32
    %c0_i32 = arith.constant 0 : i32
    %c0_i32_0 = arith.constant 0 : i32
    return %c1_i32, %arg0, %c0_i32 : i32, i32, i32
  }
  func.func @transform_3(%arg0: i32) -> (i32, i32) {
    %c0_i32 = arith.constant 0 : i32
    %c0_i32_0 = arith.constant 0 : i32
    %c0_i32_1 = arith.constant 0 : i32
    return %c0_i32, %c0_i32_0 : i32, i32
  }
  func.func @transform_4(%arg0: i32) -> (i32, i32) {
    %c0_i32 = arith.constant 0 : i32
    %c0_i32_0 = arith.constant 0 : i32
    %c0_i32_1 = arith.constant 0 : i32
    return %c0_i32, %c0_i32_0 : i32, i32
  }
  func.func @transform_5(%arg0: i32) -> (i32, i32) {
    %c0_i32 = arith.constant 0 : i32
    %c0_i32_0 = arith.constant 0 : i32
    %c0_i32_1 = arith.constant 0 : i32
    return %c0_i32, %c0_i32_0 : i32, i32
  }
  func.func @transform_6(%arg0: i32) -> (i32, i32) {
    %c0_i32 = arith.constant 0 : i32
    %c0_i32_0 = arith.constant 0 : i32
    %c0_i32_1 = arith.constant 0 : i32
    return %c0_i32, %c0_i32_0 : i32, i32
  }
  func.func @transform_7(%arg0: i32) -> (i32, i32, i32) {
    %c0_i32 = arith.constant 0 : i32
    %c0_i32_0 = arith.constant 0 : i32
    %c0_i32_1 = arith.constant 0 : i32
    return %arg0, %c0_i32, %c0_i32_0 : i32, i32, i32
  }
  func.func @transform_8(%arg0: i32) -> (i32, i32) {
    %c0_i32 = arith.constant 0 : i32
    %c0_i32_0 = arith.constant 0 : i32
    return %arg0, %c0_i32 : i32, i32
  }
  func.func @transform_9(%arg0: i32) -> (i32, i32) {
    %c0_i32 = arith.constant 0 : i32
    %c0_i32_0 = arith.constant 0 : i32
    %c0_i32_1 = arith.constant 0 : i32
    return %c0_i32, %c0_i32_0 : i32, i32
  }
  func.func @transform_10(%arg0: i32) -> (i32, i32) {
    %c0_i32 = arith.constant 0 : i32
    %c0_i32_0 = arith.constant 0 : i32
    %c0_i32_1 = arith.constant 0 : i32
    return %c0_i32, %c0_i32_0 : i32, i32
  }
  func.func @transform_11(%arg0: i32) -> (i32, i32) {
    %c0_i32 = arith.constant 0 : i32
    %c0_i32_0 = arith.constant 0 : i32
    %c0_i32_1 = arith.constant 0 : i32
    return %c0_i32, %c0_i32_0 : i32, i32
  }
}

module attributes {stable_mosaic.version = 14 : i64} {
  func.func @body(%arg0: i32, %arg1: memref<1000x768xf32, #tpu.memory_space<vmem>>, %arg2: memref<64x768xf32, #tpu.memory_space<vmem>>, %arg3: memref<64x768xf32, #tpu.memory_space<vmem>>, %arg4: memref<64x256xf32, #tpu.memory_space<vmem>>, %arg5: memref<1x1x1000xi32, #tpu.memory_space<vmem>>, %arg6: memref<1x768xf32, #tpu.memory_space<vmem>>, %arg7: memref<1x768xf32, #tpu.memory_space<vmem>>, %arg8: memref<1x768xf32, #tpu.memory_space<vmem>>, %arg9: memref<768x768xf32, #tpu.memory_space<vmem>>, %arg10: memref<1x768xf32, #tpu.memory_space<vmem>>, %arg11: memref<768x128xf32, #tpu.memory_space<vmem>>, %arg12: memref<1x128xf32, #tpu.memory_space<vmem>>, %arg13: memref<1000x256xf32, #tpu.memory_space<vmem>>, %arg14: memref<64x768xf32, #tpu.memory_space<vmem>>, %arg15: memref<64x128xf32, #tpu.memory_space<vmem>>) attributes {dimension_semantics = [#tpu.dimension_semantics<arbitrary>], iteration_bounds = array<i64: 10>, scalar_prefetch = 0 : i64, scratch_operands = 0 : i64, tpu.core_type = #tpu.core_type<tc>, window_params = [{transform_indices = @transform_0, window_bounds = array<i64: 1000, 768>}, {pipeline_mode = #tpu.pipeline_mode<synchronous>, transform_indices = @transform_1, window_bounds = array<i64: 64, 768>}, {pipeline_mode = #tpu.pipeline_mode<synchronous>, transform_indices = @transform_2, window_bounds = array<i64: 64, 768>}, {pipeline_mode = #tpu.pipeline_mode<synchronous>, transform_indices = @transform_3, window_bounds = array<i64: 64, 256>}, {transform_indices = @transform_4, window_bounds = array<i64: 1, 1, 1000>}, {pipeline_mode = #tpu.pipeline_mode<synchronous>, transform_indices = @transform_5, window_bounds = array<i64: 1, 768>}, {pipeline_mode = #tpu.pipeline_mode<synchronous>, transform_indices = @transform_6, window_bounds = array<i64: 1, 768>}, {pipeline_mode = #tpu.pipeline_mode<synchronous>, transform_indices = @transform_7, window_bounds = array<i64: 1, 768>}, {pipeline_mode = #tpu.pipeline_mode<synchronous>, transform_indices = @transform_8, window_bounds = array<i64: 768, 768>}, {pipeline_mode = #tpu.pipeline_mode<synchronous>, transform_indices = @transform_9, window_bounds = array<i64: 1, 768>}, {pipeline_mode = #tpu.pipeline_mode<synchronous>, transform_indices = @transform_10, window_bounds = array<i64: 768, 128>}, {pipeline_mode = #tpu.pipeline_mode<synchronous>, transform_indices = @transform_11, window_bounds = array<i64: 1, 128>}, {transform_indices = @transform_12, window_bounds = array<i64: 1000, 256>}, {pipeline_mode = #tpu.pipeline_mode<synchronous>, transform_indices = @transform_13, window_bounds = array<i64: 64, 768>}, {pipeline_mode = #tpu.pipeline_mode<synchronous>, transform_indices = @transform_14, window_bounds = array<i64: 64, 128>}]} {
    %get3A = arith.constant 0 : index
    %get3A_0 = arith.constant 0 : index
    %get3A_1 = vector.load %arg4[%get3A, %get3A_0] : memref<64x256xf32, #tpu.memory_space<vmem>>, vector<64x256xf32>
    %max3A = arith.constant 1.000000e+00 : f32
    %max3A_2 = vector.broadcast %max3A : f32 to vector<64x256xf32>
    %max3A_3 = arith.maximumf %get3A_1, %max3A_2 : vector<64x256xf32>
    %concatenate3A = tpu.concatenate %max3A_3, %max3A_3, %max3A_3 in 1 : vector<64x256xf32>, vector<64x256xf32>, vector<64x256xf32> -> vector<64x768xf32>
    %get3A_4 = arith.constant 0 : index
    %get3A_5 = arith.constant 0 : index
    %get3A_6 = vector.load %arg6[%get3A_4, %get3A_5] : memref<1x768xf32, #tpu.memory_space<vmem>>, vector<1x768xf32>
    %get3A_7 = arith.constant 0 : index
    %get3A_8 = arith.constant 0 : index
    %get3A_9 = vector.load %arg2[%get3A_7, %get3A_8] : memref<64x768xf32, #tpu.memory_space<vmem>>, vector<64x768xf32>
    %div3A = arith.divf %get3A_9, %concatenate3A : vector<64x768xf32>
    %get3A_10 = arith.constant 0 : index
    %get3A_11 = arith.constant 0 : index
    %get3A_12 = vector.load %arg3[%get3A_10, %get3A_11] : memref<64x768xf32, #tpu.memory_space<vmem>>, vector<64x768xf32>
    %div3A_13 = arith.divf %get3A_12, %concatenate3A : vector<64x768xf32>
    %mul3A = arith.constant 2.000000e+00 : f32
    %mul3A_14 = vector.broadcast %mul3A : f32 to vector<1x768xf32>
    %mul3A_15 = arith.mulf %mul3A_14, %get3A_6 : vector<1x768xf32>
    %mul3A_16 = arith.mulf %get3A_6, %get3A_6 : vector<1x768xf32>
    %sub3A = arith.subf %mul3A_15, %mul3A_16 : vector<1x768xf32>
    %mul3A_17 = vector.broadcast %sub3A : vector<1x768xf32> to vector<64x768xf32>
    %mul3A_18 = arith.mulf %mul3A_17, %div3A : vector<64x768xf32>
    %mul3A_19 = arith.mulf %mul3A_18, %div3A : vector<64x768xf32>
    %sub3A_20 = arith.subf %div3A_13, %mul3A_19 : vector<64x768xf32>
    %add3A = arith.constant 9.99999974E-6 : f32
    %add3A_21 = vector.broadcast %add3A : f32 to vector<64x768xf32>
    %add3A_22 = arith.addf %sub3A_20, %add3A_21 : vector<64x768xf32>
    %rsqrt3A = math.rsqrt %add3A_22 : vector<64x768xf32>
    %get3A_23 = arith.constant 0 : index
    %get3A_24 = arith.constant 0 : index
    %get3A_25 = vector.load %arg7[%get3A_23, %get3A_24] : memref<1x768xf32, #tpu.memory_space<vmem>>, vector<1x768xf32>
    %mul3A_26 = vector.broadcast %get3A_25 : vector<1x768xf32> to vector<64x768xf32>
    %mul3A_27 = arith.mulf %rsqrt3A, %mul3A_26 : vector<64x768xf32>
    %get3A_28 = arith.constant 0 : index
    %get3A_29 = arith.constant 0 : index
    %get3A_30 = arith.constant 0 : index
    %get3A_31 = vector.load %arg5[%get3A_28, %get3A_29, %get3A_30] : memref<1x1x1000xi32, #tpu.memory_space<vmem>>, vector<1x1x1000xi32>
    %get3A_32 = vector.shape_cast %get3A_31 : vector<1x1x1000xi32> to vector<1x1000xi32>
    %iota3A = tpu.iota {dimensions = array<i32: 0>} : vector<64x1000xi32>
    %eq3A = vector.broadcast %get3A_32 : vector<1x1000xi32> to vector<64x1000xi32>
    %eq3A_33 = arith.cmpi eq, %iota3A, %eq3A : vector<64x1000xi32>
    %convert_element_type3A = arith.extui %eq3A_33 : vector<64x1000xi1> to vector<64x1000xi32>
    %convert_element_type3A_34 = arith.sitofp %convert_element_type3A : vector<64x1000xi32> to vector<64x1000xf32>
    %transpose3A = tpu.transpose %convert_element_type3A_34, [1, 0] : vector<64x1000xf32> -> vector<1000x64xf32>
    %dot_general3A = arith.constant dense<0.000000e+00> : vector<1000x768xf32>
    %dot_general3A_35 = tpu.matmul %transpose3A, %mul3A_27, %dot_general3A {dimension_numbers = #tpu.dot_dimension_numbers<[1], [0], [0], [1], [0, 0, 1, 1], [], []>, transpose_lhs_hint = false} : vector<1000x64xf32>, vector<64x768xf32>, vector<1000x768xf32> -> vector<1000x768xf32>
    %transpose3A_36 = tpu.transpose %convert_element_type3A_34, [1, 0] : vector<64x1000xf32> -> vector<1000x64xf32>
    %mul3A_37 = vector.broadcast %get3A_6 : vector<1x768xf32> to vector<64x768xf32>
    %mul3A_38 = arith.mulf %mul3A_37, %div3A : vector<64x768xf32>
    %mul3A_39 = arith.mulf %mul3A_38, %mul3A_27 : vector<64x768xf32>
    %dot_general3A_40 = arith.constant dense<0.000000e+00> : vector<1000x768xf32>
    %dot_general3A_41 = tpu.matmul %transpose3A_36, %mul3A_39, %dot_general3A_40 {dimension_numbers = #tpu.dot_dimension_numbers<[1], [0], [0], [1], [0, 0, 1, 1], [], []>, transpose_lhs_hint = false} : vector<1000x64xf32>, vector<64x768xf32>, vector<1000x768xf32> -> vector<1000x768xf32>
    %get3A_42 = arith.constant 0 : index
    %get3A_43 = arith.constant 0 : index
    %get3A_44 = vector.load %arg1[%get3A_42, %get3A_43] : memref<1000x768xf32, #tpu.memory_space<vmem>>, vector<1000x768xf32>
    %mul3A_45 = arith.mulf %get3A_44, %dot_general3A_35 : vector<1000x768xf32>
    %sub3A_46 = arith.subf %mul3A_45, %dot_general3A_41 : vector<1000x768xf32>
    %get3A_47 = arith.constant 0 : index
    %get3A_48 = arith.constant 0 : index
    %get3A_49 = vector.load %arg8[%get3A_47, %get3A_48] : memref<1x768xf32, #tpu.memory_space<vmem>>, vector<1x768xf32>
    %add3A_50 = vector.broadcast %get3A_49 : vector<1x768xf32> to vector<1000x768xf32>
    %add3A_51 = arith.addf %sub3A_46, %add3A_50 : vector<1000x768xf32>
    %max3A_52 = arith.constant 0.000000e+00 : f32
    %max3A_53 = vector.broadcast %max3A_52 : f32 to vector<1000x768xf32>
    %max3A_54 = arith.maximumf %add3A_51, %max3A_53 : vector<1000x768xf32>
    %slice3A = vector.extract_strided_slice %max3A_54 {offsets = [0, 512], sizes = [1000, 256], strides = [1, 1]} : vector<1000x768xf32> to vector<1000x256xf32>
    %swap3A = arith.constant 0 : index
    %swap3A_55 = arith.constant 0 : index
    %swap3A_56 = vector.load %arg13[%swap3A, %swap3A_55] : memref<1000x256xf32, #tpu.memory_space<vmem>>, vector<1000x256xf32>
    tpu.vector_store %arg13[%swap3A, %swap3A_55], %slice3A {strides = array<i32>} : memref<1000x256xf32, #tpu.memory_space<vmem>>, vector<1000x256xf32>,
    %dot_general3A_57 = arith.constant dense<0.000000e+00> : vector<64x768xf32>
    %dot_general3A_58 = tpu.matmul %convert_element_type3A_34, %max3A_54, %dot_general3A_57 {dimension_numbers = #tpu.dot_dimension_numbers<[1], [0], [0], [1], [0, 0, 1, 1], [], []>, transpose_lhs_hint = false} : vector<64x1000xf32>, vector<1000x768xf32>, vector<64x768xf32> -> vector<64x768xf32>
    %eq3A_59 = arith.constant 0 : i32
    %eq3A_60 = arith.cmpi eq, %arg0, %eq3A_59 : i32
    %convert_element_type3A_61 = arith.extui %eq3A_60 : i1 to i32
    %cond3A = arith.constant 0 : i32
    %cond3A_62 = arith.cmpi ne, %convert_element_type3A_61, %cond3A : i32
    scf.if %cond3A_62 {
      %swap3A_72 = arith.constant 0 : index
      %swap3A_73 = arith.constant 0 : index
      %swap3A_74 = vector.load %arg14[%swap3A_72, %swap3A_73] : memref<64x768xf32, #tpu.memory_space<vmem>>, vector<64x768xf32>
      tpu.vector_store %arg14[%swap3A_72, %swap3A_73], %dot_general3A_58 {strides = array<i32>} : memref<64x768xf32, #tpu.memory_space<vmem>>, vector<64x768xf32>,
    } else {
    }
    %gt3A = arith.constant 0 : i32
    %gt3A_63 = arith.cmpi sgt, %arg0, %gt3A : i32
    %convert_element_type3A_64 = arith.extui %gt3A_63 : i1 to i32
    %cond3A_65 = arith.constant 0 : i32
    %cond3A_66 = arith.cmpi ne, %convert_element_type3A_64, %cond3A_65 : i32
    scf.if %cond3A_66 {
      %get3A_72 = arith.constant 0 : index
      %get3A_73 = arith.constant 0 : index
      %get3A_74 = vector.load %arg14[%get3A_72, %get3A_73] : memref<64x768xf32, #tpu.memory_space<vmem>>, vector<64x768xf32>
      %add3A_75 = arith.addf %get3A_74, %dot_general3A_58 : vector<64x768xf32>
      %swap3A_76 = arith.constant 0 : index
      %swap3A_77 = arith.constant 0 : index
      %swap3A_78 = vector.load %arg14[%swap3A_76, %swap3A_77] : memref<64x768xf32, #tpu.memory_space<vmem>>, vector<64x768xf32>
      tpu.vector_store %arg14[%swap3A_76, %swap3A_77], %add3A_75 {strides = array<i32>} : memref<64x768xf32, #tpu.memory_space<vmem>>, vector<64x768xf32>,
    } else {
    }
    %eq3A_67 = arith.constant 9 : i32
    %eq3A_68 = arith.cmpi eq, %arg0, %eq3A_67 : i32
    %convert_element_type3A_69 = arith.extui %eq3A_68 : i1 to i32
    %cond3A_70 = arith.constant 0 : i32
    %cond3A_71 = arith.cmpi ne, %convert_element_type3A_69, %cond3A_70 : i32
    scf.if %cond3A_71 {
      %get3A_72 = arith.constant 0 : index
      %get3A_73 = arith.constant 0 : index
      %get3A_74 = vector.load %arg14[%get3A_72, %get3A_73] : memref<64x768xf32, #tpu.memory_space<vmem>>, vector<64x768xf32>
      %div3A_75 = arith.divf %get3A_74, %concatenate3A : vector<64x768xf32>
      %get3A_76 = arith.constant 0 : index
      %get3A_77 = arith.constant 0 : index
      %get3A_78 = vector.load %arg9[%get3A_76, %get3A_77] : memref<768x768xf32, #tpu.memory_space<vmem>>, vector<768x768xf32>
      %dot_general3A_79 = arith.constant dense<0.000000e+00> : vector<64x768xf32>
      %dot_general3A_80 = tpu.matmul %div3A_75, %get3A_78, %dot_general3A_79 {dimension_numbers = #tpu.dot_dimension_numbers<[1], [0], [0], [1], [0, 0, 1, 1], [], []>, transpose_lhs_hint = false} : vector<64x768xf32>, vector<768x768xf32>, vector<64x768xf32> -> vector<64x768xf32>
      %get3A_81 = arith.constant 0 : index
      %get3A_82 = arith.constant 0 : index
      %get3A_83 = vector.load %arg10[%get3A_81, %get3A_82] : memref<1x768xf32, #tpu.memory_space<vmem>>, vector<1x768xf32>
      %add3A_84 = vector.broadcast %get3A_83 : vector<1x768xf32> to vector<64x768xf32>
      %add3A_85 = arith.addf %dot_general3A_80, %add3A_84 : vector<64x768xf32>
      %max3A_86 = arith.constant 0.000000e+00 : f32
      %max3A_87 = vector.broadcast %max3A_86 : f32 to vector<64x768xf32>
      %max3A_88 = arith.maximumf %add3A_85, %max3A_87 : vector<64x768xf32>
      %get3A_89 = arith.constant 0 : index
      %get3A_90 = arith.constant 0 : index
      %get3A_91 = vector.load %arg11[%get3A_89, %get3A_90] : memref<768x128xf32, #tpu.memory_space<vmem>>, vector<768x128xf32>
      %dot_general3A_92 = arith.constant dense<0.000000e+00> : vector<64x128xf32>
      %dot_general3A_93 = tpu.matmul %max3A_88, %get3A_91, %dot_general3A_92 {dimension_numbers = #tpu.dot_dimension_numbers<[1], [0], [0], [1], [0, 0, 1, 1], [], []>, transpose_lhs_hint = false} : vector<64x768xf32>, vector<768x128xf32>, vector<64x128xf32> -> vector<64x128xf32>
      %get3A_94 = arith.constant 0 : index
      %get3A_95 = arith.constant 0 : index
      %get3A_96 = vector.load %arg12[%get3A_94, %get3A_95] : memref<1x128xf32, #tpu.memory_space<vmem>>, vector<1x128xf32>
      %add3A_97 = vector.broadcast %get3A_96 : vector<1x128xf32> to vector<64x128xf32>
      %add3A_98 = arith.addf %dot_general3A_93, %add3A_97 : vector<64x128xf32>
      %iota3A_99 = tpu.iota {dimensions = array<i32: 1>} : vector<64x128xi32>
      %lt3A = arith.constant 10 : i32
      %lt3A_100 = vector.broadcast %lt3A : i32 to vector<64x128xi32>
      %lt3A_101 = arith.cmpi slt, %iota3A_99, %lt3A_100 : vector<64x128xi32>
      %jit3A = arith.constant -1.000000e+30 : f32
      %broadcast_in_dim3A = vector.broadcast %jit3A : f32 to vector<64x128xf32>
      %select_n3A = arith.select %lt3A_101, %add3A_98, %broadcast_in_dim3A : vector<64x128xi1>, vector<64x128xf32>
      %reduce_max3A = arith.constant dense<0xFF800000> : vector<64xf32>
      %reduce_max3A_102 = vector.multi_reduction <maximumf>, %select_n3A, %reduce_max3A [1] : vector<64x128xf32> to vector<64xf32>
      %broadcast_in_dim3A_103 = vector.shape_cast %reduce_max3A_102 : vector<64xf32> to vector<64x1xf32>
      %sub3A_104 = vector.broadcast %broadcast_in_dim3A_103 : vector<64x1xf32> to vector<64x128xf32>
      %sub3A_105 = arith.subf %select_n3A, %sub3A_104 : vector<64x128xf32>
      %exp3A = math.exp %sub3A_105 : vector<64x128xf32>
      %jit3A_106 = arith.constant 0.000000e+00 : f32
      %broadcast_in_dim3A_107 = vector.broadcast %jit3A_106 : f32 to vector<64x128xf32>
      %select_n3A_108 = arith.select %lt3A_101, %exp3A, %broadcast_in_dim3A_107 : vector<64x128xi1>, vector<64x128xf32>
      %reduce_sum3A = arith.constant dense<0.000000e+00> : vector<64xf32>
      %reduce_sum3A_109 = vector.multi_reduction <add>, %select_n3A_108, %reduce_sum3A [1] : vector<64x128xf32> to vector<64xf32>
      %broadcast_in_dim3A_110 = vector.shape_cast %reduce_sum3A_109 : vector<64xf32> to vector<64x1xf32>
      %sub3A_111 = vector.broadcast %broadcast_in_dim3A_103 : vector<64x1xf32> to vector<64x128xf32>
      %sub3A_112 = arith.subf %select_n3A, %sub3A_111 : vector<64x128xf32>
      %log3A = math.log %broadcast_in_dim3A_110 : vector<64x1xf32>
      %sub3A_113 = vector.broadcast %log3A : vector<64x1xf32> to vector<64x128xf32>
      %sub3A_114 = arith.subf %sub3A_112, %sub3A_113 : vector<64x128xf32>
      %swap3A_115 = arith.constant 0 : index
      %swap3A_116 = arith.constant 0 : index
      %swap3A_117 = vector.load %arg15[%swap3A_115, %swap3A_116] : memref<64x128xf32, #tpu.memory_space<vmem>>, vector<64x128xf32>
      tpu.vector_store %arg15[%swap3A_115, %swap3A_116], %sub3A_114 {strides = array<i32>} : memref<64x128xf32, #tpu.memory_space<vmem>>, vector<64x128xf32>,
    } else {
    }
    return
  }
  func.func @transform_0(%arg0: i32) -> (i32, i32) {
    %c0_i32 = arith.constant 0 : i32
    %c0_i32_0 = arith.constant 0 : i32
    return %arg0, %c0_i32 : i32, i32
  }
  func.func @transform_1(%arg0: i32) -> (i32, i32) {
    %c0_i32 = arith.constant 0 : i32
    %c0_i32_0 = arith.constant 0 : i32
    %c0_i32_1 = arith.constant 0 : i32
    return %c0_i32, %c0_i32_0 : i32, i32
  }
  func.func @transform_2(%arg0: i32) -> (i32, i32) {
    %c0_i32 = arith.constant 0 : i32
    %c0_i32_0 = arith.constant 0 : i32
    %c0_i32_1 = arith.constant 0 : i32
    return %c0_i32, %c0_i32_0 : i32, i32
  }
  func.func @transform_3(%arg0: i32) -> (i32, i32) {
    %c0_i32 = arith.constant 0 : i32
    %c0_i32_0 = arith.constant 0 : i32
    %c0_i32_1 = arith.constant 0 : i32
    return %c0_i32, %c0_i32_0 : i32, i32
  }
  func.func @transform_4(%arg0: i32) -> (i32, i32, i32) {
    %c0_i32 = arith.constant 0 : i32
    %c0_i32_0 = arith.constant 0 : i32
    %c0_i32_1 = arith.constant 0 : i32
    return %arg0, %c0_i32, %c0_i32_0 : i32, i32, i32
  }
  func.func @transform_5(%arg0: i32) -> (i32, i32) {
    %c0_i32 = arith.constant 0 : i32
    %c0_i32_0 = arith.constant 0 : i32
    %c0_i32_1 = arith.constant 0 : i32
    return %c0_i32, %c0_i32_0 : i32, i32
  }
  func.func @transform_6(%arg0: i32) -> (i32, i32) {
    %c0_i32 = arith.constant 0 : i32
    %c0_i32_0 = arith.constant 0 : i32
    %c0_i32_1 = arith.constant 0 : i32
    return %c0_i32, %c0_i32_0 : i32, i32
  }
  func.func @transform_7(%arg0: i32) -> (i32, i32) {
    %c0_i32 = arith.constant 0 : i32
    %c0_i32_0 = arith.constant 0 : i32
    %c0_i32_1 = arith.constant 0 : i32
    return %c0_i32, %c0_i32_0 : i32, i32
  }
  func.func @transform_8(%arg0: i32) -> (i32, i32) {
    %c0_i32 = arith.constant 0 : i32
    %c0_i32_0 = arith.constant 0 : i32
    %c0_i32_1 = arith.constant 0 : i32
    return %c0_i32, %c0_i32_0 : i32, i32
  }
  func.func @transform_9(%arg0: i32) -> (i32, i32) {
    %c0_i32 = arith.constant 0 : i32
    %c0_i32_0 = arith.constant 0 : i32
    %c0_i32_1 = arith.constant 0 : i32
    return %c0_i32, %c0_i32_0 : i32, i32
  }
  func.func @transform_10(%arg0: i32) -> (i32, i32) {
    %c0_i32 = arith.constant 0 : i32
    %c0_i32_0 = arith.constant 0 : i32
    %c0_i32_1 = arith.constant 0 : i32
    return %c0_i32, %c0_i32_0 : i32, i32
  }
  func.func @transform_11(%arg0: i32) -> (i32, i32) {
    %c0_i32 = arith.constant 0 : i32
    %c0_i32_0 = arith.constant 0 : i32
    %c0_i32_1 = arith.constant 0 : i32
    return %c0_i32, %c0_i32_0 : i32, i32
  }
  func.func @transform_12(%arg0: i32) -> (i32, i32) {
    %c0_i32 = arith.constant 0 : i32
    %c0_i32_0 = arith.constant 0 : i32
    return %arg0, %c0_i32 : i32, i32
  }
  func.func @transform_13(%arg0: i32) -> (i32, i32) {
    %c0_i32 = arith.constant 0 : i32
    %c0_i32_0 = arith.constant 0 : i32
    %c0_i32_1 = arith.constant 0 : i32
    return %c0_i32, %c0_i32_0 : i32, i32
  }
  func.func @transform_14(%arg0: i32) -> (i32, i32) {
    %c0_i32 = arith.constant 0 : i32
    %c0_i32_0 = arith.constant 0 : i32
    %c0_i32_1 = arith.constant 0 : i32
    return %c0_i32, %c0_i32_0 : i32, i32
  }
}

</mosaic_0001>

<sc_bundles>
// kernel: kernel.5.cloned.1.call-start
scs
__scs_entry_jumppad:
0x0: {  	(pc) =	sbr.rel $0x88, $3  }
0x1: {  	(tag) =	ssettag $0x0;
	lr =	simm.s32 $0x1  }
0x2: {  	[smem:$0x3F7F] =	sst lr;
	_ =	strace $0xD0000000  }
0x3: {  	_ = 	snop  }
0x4: {  	_ = 	snop  }
0x5: {  	_ = 	snop  }
0x6: {  	_ = 	snop  }
0x7: {  	_ = 	snop  }
__scs_overlays_trampoline_lowered:
0x8: {  	[smem:$0x3F8E] =	sst s0  }
0x9: {  	[smem:$0x3F8F] =	sst s1  }
0xa: {  	[smem:$0x3F90] =	sst s2  }
0xb: {  	[smem:$0x3F91] =	sst s3  }
0xc: {  	[smem:$0x3F92] =	sst s4  }
0xd: {  	[smem:$0x3F93] =	sst s5  }
0xe: {  	[smem:$0x3F94] =	sst s6  }
0xf: {  	[smem:$0x3F95] =	sst s7  }
0x10: {  	[smem:$0x3F96] =	sst s8  }
0x11: {  	[smem:$0x3F97] =	sst s9;
	s0 =	simm.s32 @!p0 $0x0  }
0x12: {  	s1 =	sld [smem:$0x3F7D];
	s0 =	simm.s32 @p0 $0x1  }
0x13: {  	[smem:$0x3F98] =	sst s0;
	s0 =	simm.s32 @!p1 $0x0  }
0x14: {  	s2 =	sld [smem:$0x3F7C];
	s0 =	simm.s32 @p1 $0x1  }
0x15: {  	[smem:$0x3F99] =	sst s0;
	s0 =	simm.s32 @!p2 $0x0  }
0x16: {  	s3 =	sld [smem:$0x3FDB];
	s0 =	simm.s32 @p2 $0x1  }
0x17: {  	s4 =	simm.s32 $0x1BF5;
	[smem:$0x3F9B] =	sst s0  }
0x18: {  	s0 =	sld [smem:$0x3F7E];
	_ =	swait.ge [sflag:s4], $0x0  }
0x19: {  	s7 =	sld [smem:$0x3F7F]  }
0x1a: {  	s8 =	sadd.s32 $0xFFFFE003, lr  }
0x1b: {  	s9 =	sadd.s32 $0xFFFFFEF7, lr;
	s5 =	simm.s32 $0xFFFFFFFF;
	p2 =	slt.u32 s8, $0xFFFFF086  }
0x1c: {  	p1 =	slt.u32 s9, $0xF7A;
	s5 =	simm.s32 @!p2 $0x0  }
0x1d: {  	s5 =	simm.s32 @p1 $0x1;
	p0 =	seq.s32 s7, s2  }
0x1e: {  	s7 =	smul.u32 @!p0 $0xF7A, s2;
	p2 =	seq.s32 @!p0 s5, $0x0  }
0x1f: {  	s9 =	smul.u32 $0xF7A, s1;
	s8 =	simm.s32 @!p0 $0x1BF5;
	p2 =	por !p2, p0  }
0x20: {  	[sflag:s8] =	ssyncset.s32 @!p0 $0xFFFFF086;
	s6 =	sadd.s32 @!p0 s3, s7;
	s7 =	simm.s32 @!p0 $0x108  }
0x21: {  	s3 =	sadd.s32 s3, s9;
	s6 =	sadd.s32 @!p0 $0x88, s6;
	s7 =	simm.s32 @p2 $0x1082  }
0x22: {  	[simem:s7], [sflag:s8] =	dma.local @!p0 [hbm:s6], $0xF7A  }
0x23: {  	s9 =	sor.u32 $0xD0000000, s2;
	s6 =	simm.s32 $0x108;
	_ =	swait.ge @!p0 [sflag:s8], $0x0  }
0x24: {  	s3 =	sadd.s32 $0x88, s3;
	s6 =	simm.s32 @!p1 $0x1082;
	[sflag:s4] =	ssyncset.s32 $0xFFFFF086  }
0x25: {  	[simem:s6], [sflag:s4] =	dma.local [hbm:s3], $0xF7A  }
0x26: {  	[smem:$0x3F7F] =	sst s1;
	(tag) =	ssettag s2;
	_ =	strace s9  }
0x27: {  	s1 =	sld [smem:$0x3F8F]  }
0x28: {  	s2 =	sld [smem:$0x3F90]  }
0x29: {  	s4 =	sld [smem:$0x3F92]  }
0x2a: {  	p0 =	seq.s32 s5, $0x0;
	s5 =	sld [smem:$0x3F93]  }
0x2b: {  	s6 =	sld [smem:$0x3F94]  }
0x2c: {  	s7 =	sld [smem:$0x3F95]  }
0x2d: {  	s3 =	simm.s32 $0x108;
	s8 =	sld [smem:$0x3F96]  }
0x2e: {  	s3 =	simm.s32 @!p0 $0x1082;
	s9 =	sld [smem:$0x3F97]  }
0x2f: {  	lr =	sadd.s32 s0, s3;
	s0 =	sld [smem:$0x3F8E]  }
0x30: {  	s3 =	sld [smem:$0x3F91]  }
0x31: {  	[smem:$0x3F9A] =	sst s10  }
0x32: {  	s10 =	sld [smem:$0x3F98];
	_ =	sdelay $0x3  }
0x33: {  	p0 =	seq.s32 s10, $0x1;
	s10 =	sld [smem:$0x3F9A];
	_ =	sdelay $0x3  }
0x34: {  	[smem:$0x3F9A] =	sst s10  }
0x35: {  	s10 =	sld [smem:$0x3F99];
	_ =	sdelay $0x3  }
0x36: {  	p1 =	seq.s32 s10, $0x1;
	s10 =	sld [smem:$0x3F9A];
	_ =	sdelay $0x3  }
0x37: {  	[smem:$0x3F9A] =	sst s10  }
0x38: {  	s10 =	sld [smem:$0x3F9B]  }
0x39: {  	_ = 	snop;
	(pc) =	sbr.ind lr, $3  }
0x3a: {  	_ = 	snop  }
0x3b: {  	_ = 	snop  }
0x3c: {  	p2 =	seq.s32 s10, $0x1;
	s10 =	sld [smem:$0x3F9A]  }
0x3d: {  	_ =	shalt  }
0x3e: {  	_ =	shalt  }
0x3f: {  	_ =	shalt  }
0x40: {  	_ =	shalt  }
0x41: {  	_ =	shalt  }
0x42: {  	_ =	shalt  }
0x43: {  	_ =	shalt  }
0x44: {  	_ =	shalt  }
0x45: {  	_ =	shalt  }
0x46: {  	_ =	shalt  }
0x47: {  	_ =	shalt  }
0x48: {  	_ =	shalt  }
0x49: {  	_ =	shalt  }
0x4a: {  	_ =	shalt  }
0x4b: {  	_ =	shalt  }
0x4c: {  	_ =	shalt  }
0x4d: {  	_ =	shalt  }
0x4e: {  	_ =	shalt  }
0x4f: {  	_ =	shalt  }
0x50: {  	_ =	shalt  }
0x51: {  	_ =	shalt  }
0x52: {  	_ =	shalt  }
0x53: {  	_ =	shalt  }
0x54: {  	_ =	shalt  }
0x55: {  	_ =	shalt  }
0x56: {  	_ =	shalt  }
0x57: {  	_ =	shalt  }
0x58: {  	_ =	shalt  }
0x59: {  	_ =	shalt  }
0x5a: {  	_ =	shalt  }
0x5b: {  	_ =	shalt  }
0x5c: {  	_ =	shalt  }
0x5d: {  	_ =	shalt  }
0x5e: {  	_ =	shalt  }
0x5f: {  	_ =	shalt  }
0x60: {  	_ =	shalt  }
0x61: {  	_ =	shalt  }
0x62: {  	_ =	shalt  }
0x63: {  	_ =	shalt  }
0x64: {  	_ =	shalt  }
0x65: {  	_ =	shalt  }
0x66: {  	_ =	shalt  }
0x67: {  	_ =	shalt  }
0x68: {  	_ =	shalt  }
0x69: {  	_ =	shalt  }
0x6a: {  	_ =	shalt  }
0x6b: {  	_ =	shalt  }
0x6c: {  	_ =	shalt  }
0x6d: {  	_ =	shalt  }
0x6e: {  	_ =	shalt  }
0x6f: {  	_ =	shalt  }
0x70: {  	_ =	shalt  }
0x71: {  	_ =	shalt  }
0x72: {  	_ =	shalt  }
0x73: {  	_ =	shalt  }
0x74: {  	_ =	shalt  }
0x75: {  	_ =	shalt  }
0x76: {  	_ =	shalt  }
0x77: {  	_ =	shalt  }
0x78: {  	_ =	shalt  }
0x79: {  	_ =	shalt  }
0x7a: {  	_ =	shalt  }
0x7b: {  	_ =	shalt  }
0x7c: {  	_ =	shalt  }
0x7d: {  	_ =	shalt  }
0x7e: {  	_ =	shalt  }
0x7f: {  	_ =	shalt  }
0x80: {  	_ =	shalt  }
0x81: {  	_ =	shalt  }
0x82: {  	_ =	shalt  }
0x83: {  	_ =	shalt  }
0x84: {  	_ =	shalt  }
0x85: {  	_ =	shalt  }
0x86: {  	_ =	shalt  }
0x87: {  	_ =	shalt  }
.Lfunc_end0:
.L_simem_size_0:
called_computation_lowered:
.L_overlay_start_0:
0x88: {  	s2 =	sld [smem:$0x3FD9]  }
0x89: {  	s3 =	sld [smem:$0x3FFE];
	_ =	sdelay $0x1  }
0x8a: {  	s1 =	srdreg.scid  }
0x8b: {  	s0 =	sand.u32 $0x1, s1  }
0x8c: {  	s14 =	sshll.u32 s0, $0xA;
	s2 =	sadd.s32 s3, s2  }
0x8d: {  	s2 =	sadd.s32 s2, s14  }
0x8e: {  	[smem:$0x3FA6] =	sst s2  }
0x8f: {  	_ = 	snop  }
0x90: {  	s2 =	sld [smem:$0x3FD0];
	_ =	sdelay $0x2  }
0x91: {  	s15 =	simm.s32 $0xA;
	s4 =	simm.s32 $0x10  }
0x92: {  	[smem:s4], [sflag:s15] =	dma.local [hbm:s2], $0x1  }
0x93: {  	_ =	swait.eq [sflag:s15], $0x1  }
0x94: {  	[sflag:s15] =	ssyncset.done $0x0  }
0x95: {  	[sflag:s15] =	ssyncadd.s32 $0xFFFFFFFF  }
0x96: {  	s16 =	sld [smem:$0x10];
	(tm) =	ssettm $0x1  }
0x97: {  	s17 =	sld [smem:$0x3FFB];
	_ =	sdelay $0x3  }
0x98: {  	_ =	strace s17  }
0x99: {  	s3 =	sld [smem:$0x3FFC];
	_ =	sdelay $0x3  }
0x9a: {  	_ =	strace s3  }
0x9b: {  	s3 =	sld [smem:$0x3FFD];
	_ =	sdelay $0x3  }
0x9c: {  	_ =	strace s3  }
0x9d: {  	_ =	strace $0x8FFFFFFF  }
0x9e: {  	s18 =	sld [smem:$0x3FDB];
	_ =	sdelay $0x1  }
0x9f: {  	s19 =	simm.s32 $_scs_section_size  }
0xa0: {  	s5 =	simm.s32 $_size__tile_overlayer_lowered;
	s6 =	simm.s32 $_tile_overlayer_lowered  }
0xa1: {  	s22 =	simm.s32 $0x1BFF;
	s21 =	sshll.u32 s6, $0x1;
	s3 =	sadd.s32 s19, s18  }
0xa2: {  	s7 =	simm.s32 $0x0;
	s20 =	sshll.u32 s5, $0x1;
	s5 =	sadd.s32 s21, s3  }
0xa3: {  	[timem:s7], [sflag:s22] =	dma.local [hbm:s5], s20  }
0xa4: {  	_ =	swait.ge [sflag:s22], s20  }
0xa5: {  	s4 =	ssub.s32 $0x0, s20;
	[sflag:s22] =	ssyncset.done $0x0  }
0xa6: {  	[sflag:s22] =	ssyncadd.s32 s4;
	_ =	sdelay $0x1  }
0xa7: {  	s23 =	simm.s32 $0x1B8B  }
0xa8: {  	_ =	swait.ge [sflag:s23], $0x1  }
0xa9: {  	[sflag:s23] =	ssyncset.done $0x0  }
0xaa: {  	s25 =	simm.s32 $0x1B8E;
	s24 =	sld [smem:$0x3FFE];
	[sflag:s23] =	ssyncadd.s32 $0xFFFFFFFF  }
0xab: {  	s26 =	simm.s32 $execute0_lowered;
	[smem:$0x3FD2] =	sst s25  }
0xac: {  	s5 =	sshll.u32 s26, $0x1;
	_ =	strace $0x80000046;
	[dreg:$0x1] =	wrdreg $0xFFFFFFFF  }
0xad: {  	s28 =	simm.s32 $_size_execute0_lowered;
	s3 =	sadd.s32 s3, s5;
	[dreg:$0x0] =	wrdreg $0x0  }
0xae: {  	s5 =	sshll.u32 s28, $0x1;
	[dreg:$0x2] =	wrdreg s3  }
0xaf: {  	[dreg:$0x3] =	wrdreg s5  }
0xb0: {  	[dreg:$0x4] =	wrdreg $0xC0  }
0xb1: {  	_ =	task [dreg:s7], $0x5FFFF  }
0xb2: {  	[dreg:$0x1] =	wrdreg $0xFFFFFFFF  }
0xb3: {  	[dreg:$0x0] =	wrdreg $0x60  }
0xb4: {  	[dreg:$0x2] =	wrdreg s16  }
0xb5: {  	[dreg:$0x3] =	wrdreg s24  }
0xb6: {  	[dreg:$0x4] =	wrdreg $0x84000  }
0xb7: {  	[dreg:$0x5] =	wrdreg $0x9  }
0xb8: {  	_ =	task.clear_ibuf [dreg:s7], $0x6FFFF;
	_ =	strace $0x90000046  }
0xb9: {  	s29 =	simm.s32 $0x9;
	_ =	strace $0x80000048  }
0xba: {  	_ =	swait.ge [sflag:s29], $0x1  }
0xbb: {  	[sflag:s29] =	ssyncadd.s32 $0xFFFFFFFF  }
0xbc: {  	_ =	strace $0x90000048  }
0xbd: {  	_ =	sfence  }
0xbe: {  	s30 =	sld [smem:$0x0];
	_ =	sdelay $0x2  }
0xbf: {  	s31 =	sshll.u32 s1, $0xD;
	s1 =	sshrl.u32 s1, $0x2  }
0xc0: {  	s3 =	sand.u32 $0x4000, s31;
	s1 =	sadd.s32 s1, s30  }
0xc1: {  	s0 =	sor.u32 s3, s0;
	s1 =	sshll.u32 s1, $0x11  }
0xc2: {  	s0 =	sor.u32 s1, s0  }
0xc3: {  	s0 =	sadd.s32 $0x8F2B, s0  }
0xc4: {  	[sflag:s0] =	ssyncadd.remote.s32 $0x1  }
0xc5: {  	_ =	sfence.sel $0xFFFF  }
0xc6: {  	[dreg:$0x0] =	wrdreg $0xFFFFFFFF;
	(pc) =	sbr.abs _section_cstart, $3  }
0xc7: {  	[dreg:$0x1] =	wrdreg $0xFFFFFFFF  }
0xc8: {  	_ =	task.clear_ibuf [dreg:s7], $0x2FFFF;
	_ =	strace $0x9FFFFFFF  }
0xc9: {  	(tm) =	ssettm $0x7FFFFFFF  }
tec
execute0_lowered:
.L_overlay_start_1:
0x0: {  	(tag) =	ssettag $0x1  }
0x1: {  	s1 =	rddreg [dreg:$0x0]  }
0x2: {  	s0 =	rddreg [dreg:$0x1]  }
0x3: {  	s2 =	rddreg [dreg:$0x2]  }
0x4: {  	s3 =	srdreg.scid;
	s12 =	stileid.u32  }
0x5: {  	s4 =	simm.s32 $0x0;
	s28 =	simm.s32 $0x200;
	s6 =	smul.u32 $0x14000, s12  }
0x6: {  	s29 =	simm.s32 $0x80;
	s30 =	simm.s32 $0x280;
	s7 =	smul.u32 $0x2800, s12  }
0x7: {  	s31 =	simm.s32 $0x100;
	s3 =	sand.u32 $0x1, s3;
	s15 =	smul.u32 $0x50000, s12  }
0x8: {  	[smem:$0x7FF] =	sst s4;
	s8 =	sadd.s32 $0x5200, s0;
	s23 =	smul.u32 $0x500, s12  }
0x9: {  	s9 =	sadd.s32 $0xF200, s0;
	s10 =	sadd.s32 $0x14200, s0;
	s5 =	smul.u32 $0x140000, s3  }
0xa: {  	s19 =	sshll.u32 s12, $0x6;
	s11 =	smul.u32 $0x28000, s3;
	s3 =	ssub.s32 $0x2, s3  }
0xb: {  	_ =	strace $0x80000047;
	[dreg:$0x8] =	wrdreg s10;
	s13 =	sshrl.u32 s3, $0x1  }
0xc: {  	s5 =	sadd.s32 s6, s5;
	s10 =	sadd.s32 s7, s11;
	s7 =	sshrl.u32 s7, $0x3  }
0xd: {  	s3 =	ssub.s32 s3, s13;
	s13 =	sor.u32 $0x1C09, s19;
	s7 =	sadd.s32 s9, s7  }
0xe: {  	s5 =	sshrl.u32 s5, $0x3;
	s14 =	sshrl.u32 s10, $0x3;
	s16 =	sadd.s32 $0x10, s7  }
0xf: {  	s26 =	sor.u32 $0x400, s10;
	s18 =	sadd.s32 $0x20, s7;
	[dreg:$0xb] =	wrdreg s16  }
0x10: {  	s12 =	sor.u32 $0x380, s10;
	s21 =	sadd.s32 $0x30, s7;
	[dreg:$0xd] =	wrdreg s18  }
0x11: {  	s0 =	sadd.s32 s5, s0;
	s24 =	sadd.s32 $0x40, s7;
	[dreg:$0x10] =	wrdreg s21  }
0x12: {  	s6 =	sadd.s32 s8, s14;
	s5 =	sshrl.u32 s15, $0x2;
	[dreg:$0x12] =	wrdreg s24  }
0x13: {  	s15 =	sshrl.u32 s12, $0x3;
	s11 =	sadd.s32 $0x10, s6;
	[dreg:$0x9] =	wrdreg s6  }
0x14: {  	s12 =	simm.s32 $0x180;
	s17 =	sadd.s32 $0x20, s6;
	[dreg:$0xa] =	wrdreg s11  }
0x15: {  	s5 =	sadd.s32 s5, s2;
	s20 =	sadd.s32 $0x30, s6;
	[dreg:$0xc] =	wrdreg s17  }
0x16: {  	s22 =	sadd.s32 $0x40, s6;
	s25 =	sadd.s32 $0x50, s6;
	[dreg:$0xe] =	wrdreg s5  }
0x17: {  	s16 =	sadd.s32 s15, s8;
	s18 =	sadd.s32 $0x50, s7;
	[dreg:$0xf] =	wrdreg s20  }
0x18: {  	s21 =	sor.u32 $0x480, s10;
	s24 =	sadd.s32 $0x4F0, s6;
	[dreg:$0x11] =	wrdreg s22  }
0x19: {  	s0 =	sadd.s32 $0x16A00, s0;
	s15 =	simm.s32 $0x7;
	[dreg:$0x13] =	wrdreg s25  }
0x1a: {  	s5 =	sadd.s32 s23, s9;
	s11 =	sshrl.u32 s26, $0x3;
	[dreg:$0x14] =	wrdreg s18  }
0x1b: {  	s17 =	sor.u32 $0x300, s10;
	[dreg:$0x6] =	wrdreg s16;
	s20 =	sadd.s32 $0x4E0, s6  }
0x1c: {  	s22 =	sadd.s32 $0x4E0, s7;
	s23 =	sshrl.u32 s21, $0x3;
	[dreg:$0x17] =	wrdreg s24  }
0x1d: {  	[dreg:$0x18] =	wrdreg s0;
	s25 =	smax.u32 s3, $0x1;
	s26 =	sadd.s32 $0x4F0, s7  }
0x1e: {  	s0 =	simm.s32 $0x300;
	s3 =	simm.s32 $0x9;
	[dreg:$0x4] =	wrdreg s5  }
0x1f: {  	s9 =	simm.s32 $0x6;
	s10 =	simm.s32 $0x4400;
	[dreg:$0x15] =	wrdreg s20  }
0x20: {  	s16 =	simm.s32 $0x3;
	s18 =	simm.s32 $0x8;
	[dreg:$0x16] =	wrdreg s22  }
0x21: {  	s14 =	sadd.s32 s11, s8;
	s19 =	sshrl.u32 s17, $0x3;
	[dreg:$0x19] =	wrdreg s25  }
0x22: {  	s22 =	sadd.s32 s23, s8;
	[dreg:$0x1a] =	wrdreg s26;
	s11 =	simm.s32 $0x1  }
0x23: {  	s17 =	simm.s32 $0x2;
	s20 =	simm.s32 $0x0;
	[dreg:$0x5] =	wrdreg s14  }
0x24: {  	s5 =	sadd.s32 s19, s8;
	s8 =	simm.s32 $0x400;
	s14 =	simm.s32 $0x380  }
0x25: {  	s19 =	simm.s32 $0x4;
	[dreg:$0x7] =	wrdreg s5;
	s5 =	simm.s32 $0x5  }
.LBB2_1:
0x26: {  	s6 =	rddreg [dreg:$0x9]  }
0x27: {  	[tilespmem:s4], [sflag:$0x5] =	stream.linear.gather [hbm4b:s6+s4], $0x80, $0x38;
	[tilespmem:$0x1C400] =	vst v63  }
0x28: {  	s24 =	rddreg [dreg:$0xa]  }
0x29: {  	[tilespmem:s28], [sflag:$0x5] =	stream.linear.gather [hbm4b:s7+s4], $0x80, $0x38;
	[tilespmem:$0x1C400] =	vst v63  }
0x2a: {  	s25 =	rddreg [dreg:$0xb]  }
0x2b: {  	[tilespmem:s29], [sflag:$0x6] =	stream.linear.gather [hbm4b:s24+s4], $0x80, $0x38;
	[tilespmem:$0x1C400] =	vst v63  }
0x2c: {  	s26 =	rddreg [dreg:$0xc]  }
0x2d: {  	[tilespmem:s30], [sflag:$0x6] =	stream.linear.gather [hbm4b:s25+s4], $0x80, $0x38;
	[tilespmem:$0x1C400] =	vst v63  }
0x2e: {  	s21 =	rddreg [dreg:$0xd]  }
0x2f: {  	[tilespmem:s31], [sflag:$0x7] =	stream.linear.gather [hbm4b:s26+s4], $0x80, $0x38;
	[tilespmem:$0x1C400] =	vst v63  }
0x30: {  	s23 =	rddreg [dreg:$0xe]  }
0x31: {  	[tilespmem:s0], [sflag:$0x7] =	stream.linear.gather [hbm4b:s21+s4], $0x80, $0x38;
	[tilespmem:$0x1C400] =	vst v63  }
0x32: {  	s24 =	rddreg [dreg:$0x8];
	s21 =	sshrl.u32 s23, $0x3  }
0x33: {  	[spmem:s21], [sflag:s13] =	dma.local [hbm:s24], $0x2800  }
0x34: {  	_ =	swait.ge [sflag:s3], $0x2800  }
0x35: {  	[sflag:s3] =	ssyncset.done $0x0  }
0x36: {  	[sflag:s3] =	ssyncadd.s32 $0xFFFFD800  }
0x37: {  	[bflag:$0x0] =	sbarrier.arrive $0xFFFF  }
0x38: {  	_ =	swait.ge [sflag:s5], $0x80  }
0x39: {  	[sflag:s5] =	ssyncset.done $0x0  }
0x3a: {  	[sflag:s5] =	ssyncadd.s32 $0xFFFFFF80  }
0x3b: {  	_ =	swait.ge [sflag:s5], $0x80  }
0x3c: {  	[sflag:s5] =	ssyncset.done $0x0  }
0x3d: {  	[sflag:s5] =	ssyncadd.s32 $0xFFFFFF80  }
0x3e: {  	[tilespmem:s8], [sflag:$0x1] =	stream.indirect.gather [hbm4b:s1+s29], $0x80, s4, s29, $0xb8;
	[tilespmem:$0x1C400] =	vst v63  }
0x3f: {  	_ =	swait.ge [sflag:s9], $0x80  }
0x40: {  	[sflag:s9] =	ssyncset.done $0x0  }
0x41: {  	[sflag:s9] =	ssyncadd.s32 $0xFFFFFF80  }
0x42: {  	_ =	swait.ge [sflag:s9], $0x80  }
0x43: {  	[sflag:s9] =	ssyncset.done $0x0  }
0x44: {  	[sflag:s9] =	ssyncadd.s32 $0xFFFFFF80  }
0x45: {  	[tilespmem:s10], [sflag:$0x2] =	stream.indirect.gather [hbm4b:s1+s29], $0x80, s29, s29, $0xb8;
	[tilespmem:$0x1C400] =	vst v63  }
0x46: {  	_ =	swait.ge [sflag:s11], $0x4000  }
0x47: {  	[sflag:s11] =	ssyncset.done $0x0  }
0x48: {  	[sflag:s11] =	ssyncadd.s32 $0xFFFFC000  }
0x49: {  	[spmem:s2] =	stream.indirect.scatter.add.f32 [tilespmem:s8], [sflag:$0x3], $0x80, s28, s29, $0xb8;
	[tilespmem:$0x1C400] =	vst v63  }
0x4a: {  	s25 =	rddreg [dreg:$0xf]  }
0x4b: {  	[tilespmem:s12], [sflag:$0x8] =	stream.linear.gather [hbm4b:s25+s4], $0x80, $0x38;
	[tilespmem:$0x1C400] =	vst v63  }
0x4c: {  	s26 =	rddreg [dreg:$0x10]  }
0x4d: {  	[tilespmem:s14], [sflag:$0x8] =	stream.linear.gather [hbm4b:s26+s4], $0x80, $0x38;
	[tilespmem:$0x1C400] =	vst v63  }
0x4e: {  	_ =	swait.ge [sflag:s15], $0x80  }
0x4f: {  	[sflag:s15] =	ssyncset.done $0x0  }
0x50: {  	[sflag:s15] =	ssyncadd.s32 $0xFFFFFF80  }
0x51: {  	_ =	swait.ge [sflag:s15], $0x80  }
0x52: {  	[sflag:s15] =	ssyncset.done $0x0  }
0x53: {  	[sflag:s15] =	ssyncadd.s32 $0xFFFFFF80  }
0x54: {  	_ =	swait.ge [sflag:s16], $0x4000  }
0x55: {  	[sflag:s16] =	ssyncset.done $0x0  }
0x56: {  	[sflag:s16] =	ssyncadd.s32 $0xFFFFC000  }
0x57: {  	[tilespmem:s8], [sflag:$0x1] =	stream.indirect.gather [hbm4b:s1+s29], $0x80, s31, s29, $0xb8;
	[tilespmem:$0x1C400] =	vst v63  }
0x58: {  	_ =	swait.ge [sflag:s17], $0x4000  }
0x59: {  	[sflag:s17] =	ssyncset.done $0x0  }
0x5a: {  	[sflag:s17] =	ssyncadd.s32 $0xFFFFC000  }
0x5b: {  	[spmem:s2] =	stream.indirect.scatter.add.f32 [tilespmem:s10], [sflag:$0x4], $0x80, s30, s29, $0xb8;
	[tilespmem:$0x1C400] =	vst v63  }
0x5c: {  	s23 =	rddreg [dreg:$0x11]  }
0x5d: {  	[tilespmem:s4], [sflag:$0x5] =	stream.linear.gather [hbm4b:s23+s4], $0x80, $0x38;
	[tilespmem:$0x1C400] =	vst v63  }
0x5e: {  	s24 =	rddreg [dreg:$0x12]  }
0x5f: {  	[tilespmem:s28], [sflag:$0x5] =	stream.linear.gather [hbm4b:s24+s4], $0x80, $0x38;
	[tilespmem:$0x1C400] =	vst v63  }
0x60: {  	_ =	swait.ge [sflag:s18], $0x80  }
0x61: {  	[sflag:s18] =	ssyncset.done $0x0  }
0x62: {  	[sflag:s18] =	ssyncadd.s32 $0xFFFFFF80  }
0x63: {  	_ =	swait.ge [sflag:s18], $0x80  }
0x64: {  	[sflag:s18] =	ssyncset.done $0x0  }
0x65: {  	[sflag:s18] =	ssyncadd.s32 $0xFFFFFF80  }
0x66: {  	_ =	swait.ge [sflag:s19], $0x4000  }
0x67: {  	[sflag:s19] =	ssyncset.done $0x0  }
0x68: {  	[sflag:s19] =	ssyncadd.s32 $0xFFFFC000  }
0x69: {  	[tilespmem:s10], [sflag:$0x2] =	stream.indirect.gather [hbm4b:s1+s29], $0x80, s12, s29, $0xb8;
	[tilespmem:$0x1C400] =	vst v63  }
0x6a: {  	_ =	swait.ge [sflag:s11], $0x4000  }
0x6b: {  	[sflag:s11] =	ssyncset.done $0x0  }
0x6c: {  	[sflag:s11] =	ssyncadd.s32 $0xFFFFC000  }
0x6d: {  	[spmem:s2] =	stream.indirect.scatter.add.f32 [tilespmem:s8], [sflag:$0x3], $0x80, s0, s29, $0xb8;
	[tilespmem:$0x1C400] =	vst v63  }
0x6e: {  	s25 =	rddreg [dreg:$0x13]  }
0x6f: {  	[tilespmem:s29], [sflag:$0x6] =	stream.linear.gather [hbm4b:s25+s4], $0x80, $0x38;
	[tilespmem:$0x1C400] =	vst v63  }
0x70: {  	s26 =	rddreg [dreg:$0x14]  }
0x71: {  	[tilespmem:s30], [sflag:$0x6] =	stream.linear.gather [hbm4b:s26+s4], $0x80, $0x38;
	[tilespmem:$0x1C400] =	vst v63  }
0x72: {  	_ =	swait.ge [sflag:s5], $0x80  }
0x73: {  	[sflag:s5] =	ssyncset.done $0x0  }
0x74: {  	[sflag:s5] =	ssyncadd.s32 $0xFFFFFF80  }
0x75: {  	_ =	swait.ge [sflag:s5], $0x80  }
0x76: {  	[sflag:s5] =	ssyncset.done $0x0  }
0x77: {  	[sflag:s5] =	ssyncadd.s32 $0xFFFFFF80  }
0x78: {  	_ =	swait.ge [sflag:s16], $0x4000  }
0x79: {  	[sflag:s16] =	ssyncset.done $0x0  }
0x7a: {  	[sflag:s16] =	ssyncadd.s32 $0xFFFFC000  }
0x7b: {  	[tilespmem:s8], [sflag:$0x1] =	stream.indirect.gather [hbm4b:s1+s29], $0x80, s4, s29, $0xb8;
	[tilespmem:$0x1C400] =	vst v63  }
0x7c: {  	_ =	swait.ge [sflag:s17], $0x4000  }
0x7d: {  	[sflag:s17] =	ssyncset.done $0x0;
	s23 =	rddreg [dreg:$0x7]  }
0x7e: {  	s24 =	rddreg [dreg:$0x4];
	[sflag:s17] =	ssyncadd.s32 $0xFFFFC000  }
0x7f: {  	[spmem:s2] =	stream.indirect.scatter.add.f32 [tilespmem:s10], [sflag:$0x4], $0x80, s14, s29, $0xb8;
	[tilespmem:$0x1C400] =	vst v63  }
0x80: {  	s23 =	sadd.s32 $0x0, s23;
	s24 =	sadd.s32 $0x0, s24  }
0x81: {  	[tilespmem:s31], [sflag:$0x7] =	stream.linear.gather [hbm4b:s23+s4], $0x80, $0x38;
	[tilespmem:$0x1C400] =	vst v63  }
0x82: {  	s6 =	sadd.s32 $0x60, s24  }
0x83: {  	[tilespmem:s0], [sflag:$0x7] =	stream.linear.gather [hbm4b:s6+s4], $0x80, $0x38;
	[tilespmem:$0x1C400] =	vst v63  }
0x84: {  	_ =	swait.ge [sflag:s9], $0x80  }
0x85: {  	[sflag:s9] =	ssyncset.done $0x0  }
0x86: {  	[sflag:s9] =	ssyncadd.s32 $0xFFFFFF80  }
0x87: {  	_ =	swait.ge [sflag:s9], $0x80  }
0x88: {  	[sflag:s9] =	ssyncset.done $0x0  }
0x89: {  	[sflag:s9] =	ssyncadd.s32 $0xFFFFFF80  }
0x8a: {  	_ =	swait.ge [sflag:s19], $0x4000  }
0x8b: {  	[sflag:s19] =	ssyncset.done $0x0  }
0x8c: {  	[sflag:s19] =	ssyncadd.s32 $0xFFFFC000  }
0x8d: {  	[tilespmem:s10], [sflag:$0x2] =	stream.indirect.gather [hbm4b:s1+s29], $0x80, s29, s29, $0xb8;
	[tilespmem:$0x1C400] =	vst v63  }
0x8e: {  	_ =	swait.ge [sflag:s11], $0x4000  }
0x8f: {  	[sflag:s11] =	ssyncset.done $0x0  }
0x90: {  	s25 =	rddreg [dreg:$0x6];
	[sflag:s11] =	ssyncadd.s32 $0xFFFFC000  }
0x91: {  	[spmem:s2] =	stream.indirect.scatter.add.f32 [tilespmem:s8], [sflag:$0x3], $0x80, s28, s29, $0xb8;
	[tilespmem:$0x1C400] =	vst v63  }
0x92: {  	s23 =	sadd.s32 $0x0, s25  }
0x93: {  	[tilespmem:s12], [sflag:$0x8] =	stream.linear.gather [hbm4b:s23+s4], $0x80, $0x38;
	[tilespmem:$0x1C400] =	vst v63  }
0x94: {  	s26 =	sadd.s32 $0x70, s24  }
0x95: {  	[tilespmem:s14], [sflag:$0x8] =	stream.linear.gather [hbm4b:s26+s4], $0x80, $0x38;
	[tilespmem:$0x1C400] =	vst v63  }
0x96: {  	_ =	swait.ge [sflag:s15], $0x80  }
0x97: {  	[sflag:s15] =	ssyncset.done $0x0  }
0x98: {  	[sflag:s15] =	ssyncadd.s32 $0xFFFFFF80  }
0x99: {  	_ =	swait.ge [sflag:s15], $0x80  }
0x9a: {  	[sflag:s15] =	ssyncset.done $0x0  }
0x9b: {  	[sflag:s15] =	ssyncadd.s32 $0xFFFFFF80  }
0x9c: {  	_ =	swait.ge [sflag:s16], $0x4000  }
0x9d: {  	[sflag:s16] =	ssyncset.done $0x0  }
0x9e: {  	[sflag:s16] =	ssyncadd.s32 $0xFFFFC000  }
0x9f: {  	[tilespmem:s8], [sflag:$0x1] =	stream.indirect.gather [hbm4b:s1+s29], $0x80, s31, s29, $0xb8;
	[tilespmem:$0x1C400] =	vst v63  }
0xa0: {  	_ =	swait.ge [sflag:s17], $0x4000  }
0xa1: {  	[sflag:s17] =	ssyncset.done $0x0  }
0xa2: {  	s6 =	rddreg [dreg:$0x5];
	[sflag:s17] =	ssyncadd.s32 $0xFFFFC000  }
0xa3: {  	[spmem:s2] =	stream.indirect.scatter.add.f32 [tilespmem:s10], [sflag:$0x4], $0x80, s30, s29, $0xb8;
	[tilespmem:$0x1C400] =	vst v63  }
0xa4: {  	s23 =	sadd.s32 $0x0, s6  }
0xa5: {  	[tilespmem:s4], [sflag:$0x5] =	stream.linear.gather [hbm4b:s23+s4], $0x80, $0x38;
	[tilespmem:$0x1C400] =	vst v63  }
0xa6: {  	s25 =	sadd.s32 $0x80, s24  }
0xa7: {  	[tilespmem:s28], [sflag:$0x5] =	stream.linear.gather [hbm4b:s25+s4], $0x80, $0x38;
	[tilespmem:$0x1C400] =	vst v63  }
0xa8: {  	_ =	swait.ge [sflag:s18], $0x80  }
0xa9: {  	[sflag:s18] =	ssyncset.done $0x0  }
0xaa: {  	[sflag:s18] =	ssyncadd.s32 $0xFFFFFF80  }
0xab: {  	_ =	swait.ge [sflag:s18], $0x80  }
0xac: {  	[sflag:s18] =	ssyncset.done $0x0  }
0xad: {  	[sflag:s18] =	ssyncadd.s32 $0xFFFFFF80  }
0xae: {  	_ =	swait.ge [sflag:s19], $0x4000  }
0xaf: {  	[sflag:s19] =	ssyncset.done $0x0  }
0xb0: {  	[sflag:s19] =	ssyncadd.s32 $0xFFFFC000  }
0xb1: {  	[tilespmem:s10], [sflag:$0x2] =	stream.indirect.gather [hbm4b:s1+s29], $0x80, s12, s29, $0xb8;
	[tilespmem:$0x1C400] =	vst v63  }
0xb2: {  	_ =	swait.ge [sflag:s11], $0x4000  }
0xb3: {  	[sflag:s11] =	ssyncset.done $0x0  }
0xb4: {  	[sflag:s11] =	ssyncadd.s32 $0xFFFFC000  }
0xb5: {  	[spmem:s2] =	stream.indirect.scatter.add.f32 [tilespmem:s8], [sflag:$0x3], $0x80, s0, s29, $0xb8;
	[tilespmem:$0x1C400] =	vst v63  }
0xb6: {  	s26 =	sadd.s32 $0x0, s22;
	s23 =	simm.s32 $0x40;
	s25 =	sadd.s32 $0x90, s24  }
0xb7: {  	[tilespmem:s29], [sflag:$0x6] =	stream.linear.gather [hbm4b:s26+s4], $0x80, $0x38;
	[tilespmem:$0x1C400] =	vst v63  }
.LBB2_2:
0xb8: {  	[tilespmem:s30], [sflag:$0x6] =	stream.linear.gather [hbm4b:s25+s4], $0x80, $0x38;
	[tilespmem:$0x1C400] =	vst v63  }
0xb9: {  	_ =	swait.ge [sflag:s5], $0x80  }
0xba: {  	[sflag:s5] =	ssyncset.done $0x0  }
0xbb: {  	[sflag:s5] =	ssyncadd.s32 $0xFFFFFF80  }
0xbc: {  	_ =	swait.ge [sflag:s5], $0x80  }
0xbd: {  	[sflag:s5] =	ssyncset.done $0x0  }
0xbe: {  	[sflag:s5] =	ssyncadd.s32 $0xFFFFFF80  }
0xbf: {  	_ =	swait.ge [sflag:s16], $0x4000  }
0xc0: {  	[sflag:s16] =	ssyncset.done $0x0  }
0xc1: {  	[sflag:s16] =	ssyncadd.s32 $0xFFFFC000  }
0xc2: {  	[tilespmem:s8], [sflag:$0x1] =	stream.indirect.gather [hbm4b:s1+s29], $0x80, s4, s29, $0xb8;
	[tilespmem:$0x1C400] =	vst v63  }
0xc3: {  	_ =	swait.ge [sflag:s17], $0x4000  }
0xc4: {  	[sflag:s17] =	ssyncset.done $0x0  }
0xc5: {  	s24 =	smov.u32 s23;
	s6 =	rddreg [dreg:$0x7];
	[sflag:s17] =	ssyncadd.s32 $0xFFFFC000  }
0xc6: {  	[spmem:s2] =	stream.indirect.scatter.add.f32 [tilespmem:s10], [sflag:$0x4], $0x80, s14, s29, $0xb8;
	[tilespmem:$0x1C400] =	vst v63  }
0xc7: {  	s26 =	rddreg [dreg:$0x4];
	s25 =	sadd.s32 s24, s6  }
0xc8: {  	[tilespmem:s31], [sflag:$0x7] =	stream.linear.gather [hbm4b:s25+s4], $0x80, $0x38;
	[tilespmem:$0x1C400] =	vst v63  }
0xc9: {  	s25 =	sadd.s32 s24, s26  }
0xca: {  	s26 =	sadd.s32 $0x60, s25  }
0xcb: {  	[tilespmem:s0], [sflag:$0x7] =	stream.linear.gather [hbm4b:s26+s4], $0x80, $0x38;
	[tilespmem:$0x1C400] =	vst v63  }
0xcc: {  	_ =	swait.ge [sflag:s9], $0x80  }
0xcd: {  	[sflag:s9] =	ssyncset.done $0x0  }
0xce: {  	[sflag:s9] =	ssyncadd.s32 $0xFFFFFF80  }
0xcf: {  	_ =	swait.ge [sflag:s9], $0x80  }
0xd0: {  	[sflag:s9] =	ssyncset.done $0x0  }
0xd1: {  	[sflag:s9] =	ssyncadd.s32 $0xFFFFFF80  }
0xd2: {  	_ =	swait.ge [sflag:s19], $0x4000  }
0xd3: {  	[sflag:s19] =	ssyncset.done $0x0  }
0xd4: {  	[sflag:s19] =	ssyncadd.s32 $0xFFFFC000  }
0xd5: {  	[tilespmem:s10], [sflag:$0x2] =	stream.indirect.gather [hbm4b:s1+s29], $0x80, s29, s29, $0xb8;
	[tilespmem:$0x1C400] =	vst v63  }
0xd6: {  	_ =	swait.ge [sflag:s11], $0x4000  }
0xd7: {  	[sflag:s11] =	ssyncset.done $0x0  }
0xd8: {  	s6 =	rddreg [dreg:$0x6];
	[sflag:s11] =	ssyncadd.s32 $0xFFFFC000  }
0xd9: {  	[spmem:s2] =	stream.indirect.scatter.add.f32 [tilespmem:s8], [sflag:$0x3], $0x80, s28, s29, $0xb8;
	[tilespmem:$0x1C400] =	vst v63  }
0xda: {  	s26 =	sadd.s32 s24, s6  }
0xdb: {  	[tilespmem:s12], [sflag:$0x8] =	stream.linear.gather [hbm4b:s26+s4], $0x80, $0x38;
	[tilespmem:$0x1C400] =	vst v63  }
0xdc: {  	s6 =	sadd.s32 $0x70, s25  }
0xdd: {  	[tilespmem:s14], [sflag:$0x8] =	stream.linear.gather [hbm4b:s6+s4], $0x80, $0x38;
	[tilespmem:$0x1C400] =	vst v63  }
0xde: {  	_ =	swait.ge [sflag:s15], $0x80  }
0xdf: {  	[sflag:s15] =	ssyncset.done $0x0  }
0xe0: {  	[sflag:s15] =	ssyncadd.s32 $0xFFFFFF80  }
0xe1: {  	_ =	swait.ge [sflag:s15], $0x80  }
0xe2: {  	[sflag:s15] =	ssyncset.done $0x0  }
0xe3: {  	[sflag:s15] =	ssyncadd.s32 $0xFFFFFF80  }
0xe4: {  	_ =	swait.ge [sflag:s16], $0x4000  }
0xe5: {  	[sflag:s16] =	ssyncset.done $0x0  }
0xe6: {  	[sflag:s16] =	ssyncadd.s32 $0xFFFFC000  }
0xe7: {  	[tilespmem:s8], [sflag:$0x1] =	stream.indirect.gather [hbm4b:s1+s29], $0x80, s31, s29, $0xb8;
	[tilespmem:$0x1C400] =	vst v63  }
0xe8: {  	_ =	swait.ge [sflag:s17], $0x4000  }
0xe9: {  	[sflag:s17] =	ssyncset.done $0x0  }
0xea: {  	s26 =	rddreg [dreg:$0x5];
	[sflag:s17] =	ssyncadd.s32 $0xFFFFC000  }
0xeb: {  	[spmem:s2] =	stream.indirect.scatter.add.f32 [tilespmem:s10], [sflag:$0x4], $0x80, s30, s29, $0xb8;
	[tilespmem:$0x1C400] =	vst v63  }
0xec: {  	s6 =	sadd.s32 s24, s26  }
0xed: {  	[tilespmem:s4], [sflag:$0x5] =	stream.linear.gather [hbm4b:s6+s4], $0x80, $0x38;
	[tilespmem:$0x1C400] =	vst v63  }
0xee: {  	s26 =	sadd.s32 $0x80, s25  }
0xef: {  	[tilespmem:s28], [sflag:$0x5] =	stream.linear.gather [hbm4b:s26+s4], $0x80, $0x38;
	[tilespmem:$0x1C400] =	vst v63  }
0xf0: {  	_ =	swait.ge [sflag:s18], $0x80  }
0xf1: {  	[sflag:s18] =	ssyncset.done $0x0  }
0xf2: {  	[sflag:s18] =	ssyncadd.s32 $0xFFFFFF80  }
0xf3: {  	_ =	swait.ge [sflag:s18], $0x80  }
0xf4: {  	[sflag:s18] =	ssyncset.done $0x0  }
0xf5: {  	[sflag:s18] =	ssyncadd.s32 $0xFFFFFF80  }
0xf6: {  	_ =	swait.ge [sflag:s19], $0x4000  }
0xf7: {  	[sflag:s19] =	ssyncset.done $0x0  }
0xf8: {  	[sflag:s19] =	ssyncadd.s32 $0xFFFFC000  }
0xf9: {  	[tilespmem:s10], [sflag:$0x2] =	stream.indirect.gather [hbm4b:s1+s29], $0x80, s12, s29, $0xb8;
	[tilespmem:$0x1C400] =	vst v63  }
0xfa: {  	p0 =	sne.s32 s23, $0x440;
	_ =	swait.ge [sflag:s11], $0x4000  }
.Ltmp0:
0xfb: {  	[sflag:s11] =	ssyncset.done $0x0;
	(pc) =	sbr.rel @p0 .LBB2_2-.Ltmp0, $4  }
0xfc: {  	[sflag:s11] =	ssyncadd.s32 $0xFFFFC000  }
0xfd: {  	[spmem:s2] =	stream.indirect.scatter.add.f32 [tilespmem:s8], [sflag:$0x3], $0x80, s0, s29, $0xb8;
	[tilespmem:$0x1C400] =	vst v63  }
0xfe: {  	s23 =	sadd.s32 $0x40, s23;
	s25 =	sadd.s32 $0x90, s25;
	s26 =	sadd.s32 s24, s22  }
0xff: {  	[tilespmem:s29], [sflag:$0x6] =	stream.linear.gather [hbm4b:s26+s4], $0x80, $0x38;
	[tilespmem:$0x1C400] =	vst v63  }
0x100: {  	[tilespmem:s30], [sflag:$0x6] =	stream.linear.gather [hbm4b:s25+s4], $0x80, $0x38;
	[tilespmem:$0x1C400] =	vst v63  }
0x101: {  	_ =	swait.ge [sflag:s5], $0x80  }
0x102: {  	[sflag:s5] =	ssyncset.done $0x0  }
0x103: {  	[sflag:s5] =	ssyncadd.s32 $0xFFFFFF80  }
0x104: {  	_ =	swait.ge [sflag:s5], $0x80  }
0x105: {  	[sflag:s5] =	ssyncset.done $0x0  }
0x106: {  	[sflag:s5] =	ssyncadd.s32 $0xFFFFFF80  }
0x107: {  	_ =	swait.ge [sflag:s16], $0x4000  }
0x108: {  	[sflag:s16] =	ssyncset.done $0x0  }
0x109: {  	[sflag:s16] =	ssyncadd.s32 $0xFFFFC000  }
0x10a: {  	[tilespmem:s8], [sflag:$0x1] =	stream.indirect.gather [hbm4b:s1+s29], $0x80, s4, s29, $0xb8;
	[tilespmem:$0x1C400] =	vst v63  }
0x10b: {  	_ =	swait.ge [sflag:s17], $0x4000  }
0x10c: {  	[sflag:s17] =	ssyncset.done $0x0  }
0x10d: {  	[sflag:s17] =	ssyncadd.s32 $0xFFFFC000  }
0x10e: {  	[spmem:s2] =	stream.indirect.scatter.add.f32 [tilespmem:s10], [sflag:$0x4], $0x80, s14, s29, $0xb8;
	[tilespmem:$0x1C400] =	vst v63  }
0x10f: {  	s6 =	rddreg [dreg:$0x15]  }
0x110: {  	[tilespmem:s31], [sflag:$0x7] =	stream.linear.gather [hbm4b:s6+s4], $0x80, $0x38;
	[tilespmem:$0x1C400] =	vst v63  }
0x111: {  	s26 =	rddreg [dreg:$0x16]  }
0x112: {  	[tilespmem:s0], [sflag:$0x7] =	stream.linear.gather [hbm4b:s26+s4], $0x80, $0x38;
	[tilespmem:$0x1C400] =	vst v63  }
0x113: {  	_ =	swait.ge [sflag:s9], $0x80  }
0x114: {  	[sflag:s9] =	ssyncset.done $0x0  }
0x115: {  	[sflag:s9] =	ssyncadd.s32 $0xFFFFFF80  }
0x116: {  	_ =	swait.ge [sflag:s9], $0x80  }
0x117: {  	[sflag:s9] =	ssyncset.done $0x0  }
0x118: {  	[sflag:s9] =	ssyncadd.s32 $0xFFFFFF80  }
0x119: {  	_ =	swait.ge [sflag:s19], $0x4000  }
0x11a: {  	[sflag:s19] =	ssyncset.done $0x0  }
0x11b: {  	[sflag:s19] =	ssyncadd.s32 $0xFFFFC000  }
0x11c: {  	[tilespmem:s10], [sflag:$0x2] =	stream.indirect.gather [hbm4b:s1+s29], $0x80, s29, s29, $0xb8;
	[tilespmem:$0x1C400] =	vst v63  }
0x11d: {  	_ =	swait.ge [sflag:s11], $0x4000  }
0x11e: {  	[sflag:s11] =	ssyncset.done $0x0  }
0x11f: {  	[sflag:s11] =	ssyncadd.s32 $0xFFFFC000  }
0x120: {  	[spmem:s2] =	stream.indirect.scatter.add.f32 [tilespmem:s8], [sflag:$0x3], $0x80, s28, s29, $0xb8;
	[tilespmem:$0x1C400] =	vst v63  }
0x121: {  	s23 =	rddreg [dreg:$0x17]  }
0x122: {  	[tilespmem:s12], [sflag:$0x8] =	stream.linear.gather [hbm4b:s23+s4], $0x80, $0x38;
	[tilespmem:$0x1C400] =	vst v63  }
0x123: {  	s24 =	rddreg [dreg:$0x1a]  }
0x124: {  	[tilespmem:s14], [sflag:$0x8] =	stream.linear.gather [hbm4b:s24+s4], $0x80, $0x38;
	[tilespmem:$0x1C400] =	vst v63  }
0x125: {  	_ =	swait.ge [sflag:s15], $0x80  }
0x126: {  	[sflag:s15] =	ssyncset.done $0x0  }
0x127: {  	[sflag:s15] =	ssyncadd.s32 $0xFFFFFF80  }
0x128: {  	_ =	swait.ge [sflag:s15], $0x80  }
0x129: {  	[sflag:s15] =	ssyncset.done $0x0  }
0x12a: {  	[sflag:s15] =	ssyncadd.s32 $0xFFFFFF80  }
0x12b: {  	_ =	swait.ge [sflag:s16], $0x4000  }
0x12c: {  	[sflag:s16] =	ssyncset.done $0x0  }
0x12d: {  	[sflag:s16] =	ssyncadd.s32 $0xFFFFC000  }
0x12e: {  	[tilespmem:s8], [sflag:$0x1] =	stream.indirect.gather [hbm4b:s1+s29], $0x80, s31, s29, $0xb8;
	[tilespmem:$0x1C400] =	vst v63  }
0x12f: {  	_ =	swait.ge [sflag:s17], $0x4000  }
0x130: {  	[sflag:s17] =	ssyncset.done $0x0  }
0x131: {  	[sflag:s17] =	ssyncadd.s32 $0xFFFFC000  }
0x132: {  	[spmem:s2] =	stream.indirect.scatter.add.f32 [tilespmem:s10], [sflag:$0x4], $0x80, s30, s29, $0xb8;
	[tilespmem:$0x1C400] =	vst v63  }
0x133: {  	_ =	swait.ge [sflag:s18], $0x80  }
0x134: {  	[sflag:s18] =	ssyncset.done $0x0  }
0x135: {  	[sflag:s18] =	ssyncadd.s32 $0xFFFFFF80  }
0x136: {  	_ =	swait.ge [sflag:s18], $0x80  }
0x137: {  	[sflag:s18] =	ssyncset.done $0x0  }
0x138: {  	[sflag:s18] =	ssyncadd.s32 $0xFFFFFF80  }
0x139: {  	_ =	swait.ge [sflag:s19], $0x4000  }
0x13a: {  	[sflag:s19] =	ssyncset.done $0x0  }
0x13b: {  	[sflag:s19] =	ssyncadd.s32 $0xFFFFC000  }
0x13c: {  	[tilespmem:s10], [sflag:$0x2] =	stream.indirect.gather [hbm4b:s1+s29], $0x80, s12, s29, $0xb8;
	[tilespmem:$0x1C400] =	vst v63  }
0x13d: {  	_ =	swait.ge [sflag:s11], $0x4000  }
0x13e: {  	[sflag:s11] =	ssyncset.done $0x0  }
0x13f: {  	[sflag:s11] =	ssyncadd.s32 $0xFFFFC000  }
0x140: {  	[spmem:s2] =	stream.indirect.scatter.add.f32 [tilespmem:s8], [sflag:$0x3], $0x80, s0, s29, $0xb8;
	[tilespmem:$0x1C400] =	vst v63  }
0x141: {  	_ =	swait.ge [sflag:s16], $0x4000  }
0x142: {  	[sflag:s16] =	ssyncset.done $0x0  }
0x143: {  	[sflag:s16] =	ssyncadd.s32 $0xFFFFC000  }
0x144: {  	_ =	swait.ge [sflag:s17], $0x4000  }
0x145: {  	[sflag:s17] =	ssyncset.done $0x0  }
0x146: {  	[sflag:s17] =	ssyncadd.s32 $0xFFFFC000  }
0x147: {  	[spmem:s2] =	stream.indirect.scatter.add.f32 [tilespmem:s10], [sflag:$0x4], $0x80, s14, s29, $0xb8;
	[tilespmem:$0x1C400] =	vst v63  }
0x148: {  	_ =	swait.ge [sflag:s19], $0x4000  }
0x149: {  	[sflag:s19] =	ssyncset.done $0x0  }
0x14a: {  	[sflag:s19] =	ssyncadd.s32 $0xFFFFC000  }
0x14b: {  	[bflag:$0x0] =	sbarrier.arrive $0xFFFF  }
0x14c: {  	s25 =	rddreg [dreg:$0x18]  }
0x14d: {  	[hbm:s25], [sflag:s13] =	dma.local [spmem:s21], $0x2800  }
0x14e: {  	_ =	swait.ge [sflag:s3], $0x2800  }
0x14f: {  	s20 =	sadd.s32 $0x1, s20;
	s26 =	rddreg [dreg:$0x19]  }
0x150: {  	p0 =	sne.s32 s20, s26  }
.Ltmp1:
0x151: {  	_ = 	snop;
	(pc) =	sbr.rel @p0 .LBB2_1-.Ltmp1, $3  }
0x152: {  	_ =	sdelay $0x1  }
0x153: {  	[sflag:s3] =	ssyncset.done $0x0  }
0x154: {  	[sflag:s3] =	ssyncadd.s32 $0xFFFFD800  }
0x155: {  	_ =	sfence.sel $0x180000  }
0x156: {  	[bflag:$0x0] =	sbarrier.arrive $0xFFFF  }
0x157: {  	_ =	strace $0x90000047  }
0x158: {  	s0 =	stileid.u32;
	[bflag:$0x2] =	sbarrier.arrive $0xFFFF  }
0x159: {  	p0 =	sne.s32 s0, $0x0;
	s0 =	rddreg [dreg:$0x3]  }
0x15a: {  	s0 =	sadd.s32 @!p0 $0x100000, s0  }
0x15b: {  	[sflag:s0] =	ssyncadd.tile.s32 @!p0 $0x1;
	_ =	shalt  }
.Lfunc_end2:
_tile_overlayer_lowered:
.L_overlay_start_2:
0x15c: {  	(tag) =	ssettag $0x2  }
0x15d: {  	s0 =	rddreg [dreg:$0x0];
	s2 =	stileid.u32  }
0x15e: {  	s1 =	rddreg [dreg:$0x1];
	p0 =	sne.s32 s2, $0x0  }
0x15f: {  	s3 =	rddreg [dreg:$0x2];
	[bflag:$0x3] =	sbarrier.arrive $0xFFFF;
	s2 =	simm.s32 @!p0 $0x1C09  }
0x160: {  	[timem:s3], [sflag:s2] =	dma.local @!p0 [hbm:s0], s1  }
0x161: {  	s0 =	simm.s32 @!p0 $0x9  }
0x162: {  	_ =	swait.ge @!p0 [sflag:s0], s1  }
0x163: {  	s1 =	ssub.s32 @!p0 $0x0, s1;
	[sflag:s0] =	ssyncset.done @!p0 $0x0  }
0x164: {  	[sflag:s0] =	ssyncadd.s32 @!p0 s1  }
0x165: {  	[bflag:$0x3] =	sbarrier.arrive $0xFFFF  }
0x166: {  	_ =	shalt  }

</sc_bundles>
